<compile_context>
chip_gen: v7x
topology: tpu7x:2x2x1
jax: 0.10.2.dev20260603
libtpu: 0.0.44.dev20260713+nightly
codegen_flags: <defaults>
</compile_context>

<pallas_src>
import functools

import jax
import jax.numpy as jnp
from jax import lax
from jax.experimental import pallas as pl
from jax.experimental.pallas import tpu as pltpu
from jax.experimental.pallas import tpu_sc as plsc

EMBED_DIM = 32
NUM_CORES = 2
NUM_SUBCORES = 16
NUM_WORKERS = NUM_CORES * NUM_SUBCORES


def _make_gather(batch: int, hist: int, vocab: int, chunk_rows: int):
    assert batch % NUM_WORKERS == 0
    rows_per_w = batch // NUM_WORKERS
    assert rows_per_w % chunk_rows == 0
    n_chunks = rows_per_w // chunk_rows

    mesh = plsc.VectorSubcoreMesh(core_axis_name="c", subcore_axis_name="s")

    @functools.partial(
        pl.kernel,
        mesh=mesh,
        compiler_params=pltpu.CompilerParams(use_tc_tiling_on_sc=False),
        out_type=jax.ShapeDtypeStruct((batch, hist, EMBED_DIM), jnp.float32),
        scratch_types=[
            pltpu.VMEM((rows_per_w, hist), jnp.int32),
            pltpu.VMEM((chunk_rows, hist, EMBED_DIM), jnp.float32),
            pltpu.VMEM((chunk_rows, hist, EMBED_DIM), jnp.float32),
            pltpu.SemaphoreType.DMA,
            pltpu.SemaphoreType.DMA,
        ],
    )
    def gather_kernel(x_hbm, table_hbm, out_hbm, idx_v, rows0, rows1, sem0, sem1):
        wid = lax.axis_index("s") * NUM_CORES + lax.axis_index("c")
        base = wid * rows_per_w
        pltpu.sync_copy(x_hbm.at[pl.ds(base, rows_per_w)], idx_v)

        rows = (rows0, rows1)
        sems = (sem0, sem1)

        def start(i, buf):
            for j in range(chunk_rows):
                pltpu.async_copy(
                    table_hbm.at[idx_v.at[i * chunk_rows + j]],
                    rows[buf].at[j],
                    sems[buf],
                )

        def drain(i, buf):
            for j in range(chunk_rows):
                pltpu.make_async_copy(
                    table_hbm.at[idx_v.at[i * chunk_rows + j]],
                    rows[buf].at[j],
                    sems[buf],
                ).wait()

        start(0, 0)

        @pl.loop(0, n_chunks // 2)
        def _body(p):
            i = p * 2
            start(i + 1, 1)
            drain(i, 0)
            pltpu.sync_copy(rows[0],
                            out_hbm.at[pl.ds(base + i * chunk_rows, chunk_rows)])
            @pl.when(i + 2 < n_chunks)
            def _():
                start(i + 2, 0)
            drain(i + 1, 1)
            pltpu.sync_copy(rows[1],
                            out_hbm.at[pl.ds(base + (i + 1) * chunk_rows,
                                             chunk_rows)])

    return gather_kernel


@jax.jit
def kernel(x, table):
    batch, hist = x.shape
    gather = _make_gather(batch, hist, table.shape[0], chunk_rows=8)
    return gather(x.astype(jnp.int32), table)

# --- scband reference (transcript-rebuilt; emitter-appended) ---
"""Pipeline reference for scband-vocab-embedding-30030411334345 (READ-ONLY COPY).

The authoritative reference and input builder live on the scoring server;
editing this copy changes nothing except your own understanding.
"""

import jax, jax.numpy as jnp
import numpy as np

VOCAB = 1000000
EMBED_DIM = 32
BATCH = 16384
HIST = 50

def setup_inputs(seed: int = 0) -> dict:
    key = jax.random.key(seed)
    k_idx, k_tab = jax.random.split(key)
    x = jax.random.randint(k_idx, (BATCH, HIST), 0, VOCAB, dtype=jnp.int64 if jax.config.read('jax_enable_x64') else jnp.int32)
    table = jax.random.normal(k_tab, (VOCAB, EMBED_DIM), dtype=jnp.float32) * 0.02
    return {"x": x, "table": table}

def reference(x, table):
    # nn.Embedding forward: row gather from embedding table
    return jnp.take(table, x, axis=0)

if __name__ == "__main__":
    import jax
    _d = setup_inputs()
    print(jax.jit(kernel)(*tuple(_d.values())))

</pallas_src>

<mosaic_0001>
#map = affine_map<(d0, d1) -> (0, 0)>
#map1 = affine_map<(d0, d1) -> (0, 0, 0)>
module attributes {stable_mosaic.version = 14 : i64} {
  func.func @gather_kernel(%arg0: i32, %arg1: i32, %arg2: memref<16384x50xi32, #tpu.memory_space<hbm>>, %arg3: memref<1000000x32xf32, #tpu.memory_space<hbm>>, %arg4: memref<16384x50x32xf32, #tpu.memory_space<hbm>>, %arg5: memref<512x50xi32, #tpu.memory_space<vmem>>, %arg6: memref<8x50x32xf32, #tpu.memory_space<vmem>>, %arg7: memref<8x50x32xf32, #tpu.memory_space<vmem>>, %arg8: memref<!tpu.dma_semaphore, #tpu.memory_space<semaphore_mem>>, %arg9: memref<!tpu.dma_semaphore, #tpu.memory_space<semaphore_mem>>) attributes {dimension_semantics = [#tpu.dimension_semantics<core_parallel>, #tpu.dimension_semantics<subcore_parallel>], iteration_bounds = array<i64: 2, 16>, scalar_prefetch = 0 : i64, scratch_operands = 5 : i64, tpu.core_type = #tpu.core_type<sc_vector_subcore>, window_params = [{transform_indices = #map}, {transform_indices = #map}, {transform_indices = #map1}]} {
    %mul3A = arith.constant 2 : i32
    %mul3A_0 = arith.muli %arg1, %mul3A : i32
    %add3A = arith.addi %mul3A_0, %arg0 : i32
    %mul3A_1 = arith.constant 512 : i32
    %mul3A_2 = arith.muli %add3A, %mul3A_1 : i32
    "tpu.region"() ({
      %run_scoped3A = tpu.sem_alloc : memref<!tpu.dma_semaphore, #tpu.memory_space<semaphore_mem>>
      %dma_start3A_102 = arith.constant 0 : i32
      %dma_start3A_103 = tpu.memref_slice %arg2[%mul3A_2, %dma_start3A_102] : memref<16384x50xi32, #tpu.memory_space<hbm>> -> memref<512x50xi32, #tpu.memory_space<hbm>>
      %dma_start3A_104 = arith.constant 0 : i32
      %dma_start3A_105 = tpu.memref_slice %arg2[%mul3A_2, %dma_start3A_104] : memref<16384x50xi32, #tpu.memory_space<hbm>> -> memref<512x50xi32, #tpu.memory_space<hbm>>
      tpu.enqueue_dma source(%dma_start3A_105 : memref<512x50xi32, #tpu.memory_space<hbm>>) target(%arg5 : memref<512x50xi32, #tpu.memory_space<vmem>>) target_semaphore(%run_scoped3A : memref<!tpu.dma_semaphore, #tpu.memory_space<semaphore_mem>>)
      %dma_wait3A = arith.constant 0 : i32
      %dma_wait3A_106 = tpu.memref_slice %arg2[%mul3A_2, %dma_wait3A] : memref<16384x50xi32, #tpu.memory_space<hbm>> -> memref<512x50xi32, #tpu.memory_space<hbm>>
      %dma_wait3A_107 = arith.constant 0 : i32
      %dma_wait3A_108 = tpu.memref_slice %arg2[%mul3A_2, %dma_wait3A_107] : memref<16384x50xi32, #tpu.memory_space<hbm>> -> memref<512x50xi32, #tpu.memory_space<hbm>>
      tpu.wait_dma2 semaphore(%run_scoped3A : memref<!tpu.dma_semaphore, #tpu.memory_space<semaphore_mem>>) src(%dma_wait3A_108 : memref<512x50xi32, #tpu.memory_space<hbm>>) dst(%arg5 : memref<512x50xi32, #tpu.memory_space<vmem>>)
      tpu.yield
    }) : () -> ()
    %dma_start3A = arith.constant 0 : i32
    %dma_start3A_3 = arith.constant 0 : i32
    %dma_start3A_4 = arith.constant 0 : i32
    %dma_start3A_5 = arith.constant 0 : i32
    %dma_start3A_6 = tpu.memref_slice %arg6[%dma_start3A_3, %dma_start3A_4, %dma_start3A_5] : memref<8x50x32xf32, #tpu.memory_space<vmem>> -> memref<1x50x32xf32, #tpu.memory_space<vmem>>
    %dma_start3A_7 = tpu.memref_squeeze %dma_start3A_6 : memref<1x50x32xf32, #tpu.memory_space<vmem>> -> memref<50x32xf32, #tpu.memory_space<vmem>>
    %dma_start3A_8 = arith.constant 0 : i32
    %dma_start3A_9 = tpu.memref_slice %arg5[%dma_start3A, %dma_start3A_8] : memref<512x50xi32, #tpu.memory_space<vmem>> -> memref<1x50xi32, #tpu.memory_space<vmem>>
    %dma_start3A_10 = tpu.memref_squeeze %dma_start3A_9 : memref<1x50xi32, #tpu.memory_space<vmem>> -> memref<50xi32, #tpu.memory_space<vmem>>
    %dma_start3A_11 = arith.constant 0 : i32
    %dma_start3A_12 = arith.constant 0 : i32
    %dma_start3A_13 = tpu.memref_slice %arg3[%dma_start3A_11, %dma_start3A_12] : memref<1000000x32xf32, #tpu.memory_space<hbm>> -> memref<1000000x32xf32, #tpu.memory_space<hbm>>
    tpu.enqueue_indirect_dma source(%dma_start3A_13 : memref<1000000x32xf32, #tpu.memory_space<hbm>>) target(%dma_start3A_7 : memref<50x32xf32, #tpu.memory_space<vmem>>) offsets(%dma_start3A_10 : memref<50xi32, #tpu.memory_space<vmem>>) semaphore(%arg8 : memref<!tpu.dma_semaphore, #tpu.memory_space<semaphore_mem>>)
    %dma_start3A_14 = arith.constant 1 : i32
    %dma_start3A_15 = arith.constant 1 : i32
    %dma_start3A_16 = arith.constant 0 : i32
    %dma_start3A_17 = arith.constant 0 : i32
    %dma_start3A_18 = tpu.memref_slice %arg6[%dma_start3A_15, %dma_start3A_16, %dma_start3A_17] : memref<8x50x32xf32, #tpu.memory_space<vmem>> -> memref<1x50x32xf32, #tpu.memory_space<vmem>>
    %dma_start3A_19 = tpu.memref_squeeze %dma_start3A_18 : memref<1x50x32xf32, #tpu.memory_space<vmem>> -> memref<50x32xf32, #tpu.memory_space<vmem>>
    %dma_start3A_20 = arith.constant 0 : i32
    %dma_start3A_21 = tpu.memref_slice %arg5[%dma_start3A_14, %dma_start3A_20] : memref<512x50xi32, #tpu.memory_space<vmem>> -> memref<1x50xi32, #tpu.memory_space<vmem>>
    %dma_start3A_22 = tpu.memref_squeeze %dma_start3A_21 : memref<1x50xi32, #tpu.memory_space<vmem>> -> memref<50xi32, #tpu.memory_space<vmem>>
    %dma_start3A_23 = arith.constant 0 : i32
    %dma_start3A_24 = arith.constant 0 : i32
    %dma_start3A_25 = tpu.memref_slice %arg3[%dma_start3A_23, %dma_start3A_24] : memref<1000000x32xf32, #tpu.memory_space<hbm>> -> memref<1000000x32xf32, #tpu.memory_space<hbm>>
    tpu.enqueue_indirect_dma source(%dma_start3A_25 : memref<1000000x32xf32, #tpu.memory_space<hbm>>) target(%dma_start3A_19 : memref<50x32xf32, #tpu.memory_space<vmem>>) offsets(%dma_start3A_22 : memref<50xi32, #tpu.memory_space<vmem>>) semaphore(%arg8 : memref<!tpu.dma_semaphore, #tpu.memory_space<semaphore_mem>>)
    %dma_start3A_26 = arith.constant 2 : i32
    %dma_start3A_27 = arith.constant 2 : i32
    %dma_start3A_28 = arith.constant 0 : i32
    %dma_start3A_29 = arith.constant 0 : i32
    %dma_start3A_30 = tpu.memref_slice %arg6[%dma_start3A_27, %dma_start3A_28, %dma_start3A_29] : memref<8x50x32xf32, #tpu.memory_space<vmem>> -> memref<1x50x32xf32, #tpu.memory_space<vmem>>
    %dma_start3A_31 = tpu.memref_squeeze %dma_start3A_30 : memref<1x50x32xf32, #tpu.memory_space<vmem>> -> memref<50x32xf32, #tpu.memory_space<vmem>>
    %dma_start3A_32 = arith.constant 0 : i32
    %dma_start3A_33 = tpu.memref_slice %arg5[%dma_start3A_26, %dma_start3A_32] : memref<512x50xi32, #tpu.memory_space<vmem>> -> memref<1x50xi32, #tpu.memory_space<vmem>>
    %dma_start3A_34 = tpu.memref_squeeze %dma_start3A_33 : memref<1x50xi32, #tpu.memory_space<vmem>> -> memref<50xi32, #tpu.memory_space<vmem>>
    %dma_start3A_35 = arith.constant 0 : i32
    %dma_start3A_36 = arith.constant 0 : i32
    %dma_start3A_37 = tpu.memref_slice %arg3[%dma_start3A_35, %dma_start3A_36] : memref<1000000x32xf32, #tpu.memory_space<hbm>> -> memref<1000000x32xf32, #tpu.memory_space<hbm>>
    tpu.enqueue_indirect_dma source(%dma_start3A_37 : memref<1000000x32xf32, #tpu.memory_space<hbm>>) target(%dma_start3A_31 : memref<50x32xf32, #tpu.memory_space<vmem>>) offsets(%dma_start3A_34 : memref<50xi32, #tpu.memory_space<vmem>>) semaphore(%arg8 : memref<!tpu.dma_semaphore, #tpu.memory_space<semaphore_mem>>)
    %dma_start3A_38 = arith.constant 3 : i32
    %dma_start3A_39 = arith.constant 3 : i32
    %dma_start3A_40 = arith.constant 0 : i32
    %dma_start3A_41 = arith.constant 0 : i32
    %dma_start3A_42 = tpu.memref_slice %arg6[%dma_start3A_39, %dma_start3A_40, %dma_start3A_41] : memref<8x50x32xf32, #tpu.memory_space<vmem>> -> memref<1x50x32xf32, #tpu.memory_space<vmem>>
    %dma_start3A_43 = tpu.memref_squeeze %dma_start3A_42 : memref<1x50x32xf32, #tpu.memory_space<vmem>> -> memref<50x32xf32, #tpu.memory_space<vmem>>
    %dma_start3A_44 = arith.constant 0 : i32
    %dma_start3A_45 = tpu.memref_slice %arg5[%dma_start3A_38, %dma_start3A_44] : memref<512x50xi32, #tpu.memory_space<vmem>> -> memref<1x50xi32, #tpu.memory_space<vmem>>
    %dma_start3A_46 = tpu.memref_squeeze %dma_start3A_45 : memref<1x50xi32, #tpu.memory_space<vmem>> -> memref<50xi32, #tpu.memory_space<vmem>>
    %dma_start3A_47 = arith.constant 0 : i32
    %dma_start3A_48 = arith.constant 0 : i32
    %dma_start3A_49 = tpu.memref_slice %arg3[%dma_start3A_47, %dma_start3A_48] : memref<1000000x32xf32, #tpu.memory_space<hbm>> -> memref<1000000x32xf32, #tpu.memory_space<hbm>>
    tpu.enqueue_indirect_dma source(%dma_start3A_49 : memref<1000000x32xf32, #tpu.memory_space<hbm>>) target(%dma_start3A_43 : memref<50x32xf32, #tpu.memory_space<vmem>>) offsets(%dma_start3A_46 : memref<50xi32, #tpu.memory_space<vmem>>) semaphore(%arg8 : memref<!tpu.dma_semaphore, #tpu.memory_space<semaphore_mem>>)
    %dma_start3A_50 = arith.constant 4 : i32
    %dma_start3A_51 = arith.constant 4 : i32
    %dma_start3A_52 = arith.constant 0 : i32
    %dma_start3A_53 = arith.constant 0 : i32
    %dma_start3A_54 = tpu.memref_slice %arg6[%dma_start3A_51, %dma_start3A_52, %dma_start3A_53] : memref<8x50x32xf32, #tpu.memory_space<vmem>> -> memref<1x50x32xf32, #tpu.memory_space<vmem>>
    %dma_start3A_55 = tpu.memref_squeeze %dma_start3A_54 : memref<1x50x32xf32, #tpu.memory_space<vmem>> -> memref<50x32xf32, #tpu.memory_space<vmem>>
    %dma_start3A_56 = arith.constant 0 : i32
    %dma_start3A_57 = tpu.memref_slice %arg5[%dma_start3A_50, %dma_start3A_56] : memref<512x50xi32, #tpu.memory_space<vmem>> -> memref<1x50xi32, #tpu.memory_space<vmem>>
    %dma_start3A_58 = tpu.memref_squeeze %dma_start3A_57 : memref<1x50xi32, #tpu.memory_space<vmem>> -> memref<50xi32, #tpu.memory_space<vmem>>
    %dma_start3A_59 = arith.constant 0 : i32
    %dma_start3A_60 = arith.constant 0 : i32
    %dma_start3A_61 = tpu.memref_slice %arg3[%dma_start3A_59, %dma_start3A_60] : memref<1000000x32xf32, #tpu.memory_space<hbm>> -> memref<1000000x32xf32, #tpu.memory_space<hbm>>
    tpu.enqueue_indirect_dma source(%dma_start3A_61 : memref<1000000x32xf32, #tpu.memory_space<hbm>>) target(%dma_start3A_55 : memref<50x32xf32, #tpu.memory_space<vmem>>) offsets(%dma_start3A_58 : memref<50xi32, #tpu.memory_space<vmem>>) semaphore(%arg8 : memref<!tpu.dma_semaphore, #tpu.memory_space<semaphore_mem>>)
    %dma_start3A_62 = arith.constant 5 : i32
    %dma_start3A_63 = arith.constant 5 : i32
    %dma_start3A_64 = arith.constant 0 : i32
    %dma_start3A_65 = arith.constant 0 : i32
    %dma_start3A_66 = tpu.memref_slice %arg6[%dma_start3A_63, %dma_start3A_64, %dma_start3A_65] : memref<8x50x32xf32, #tpu.memory_space<vmem>> -> memref<1x50x32xf32, #tpu.memory_space<vmem>>
    %dma_start3A_67 = tpu.memref_squeeze %dma_start3A_66 : memref<1x50x32xf32, #tpu.memory_space<vmem>> -> memref<50x32xf32, #tpu.memory_space<vmem>>
    %dma_start3A_68 = arith.constant 0 : i32
    %dma_start3A_69 = tpu.memref_slice %arg5[%dma_start3A_62, %dma_start3A_68] : memref<512x50xi32, #tpu.memory_space<vmem>> -> memref<1x50xi32, #tpu.memory_space<vmem>>
    %dma_start3A_70 = tpu.memref_squeeze %dma_start3A_69 : memref<1x50xi32, #tpu.memory_space<vmem>> -> memref<50xi32, #tpu.memory_space<vmem>>
    %dma_start3A_71 = arith.constant 0 : i32
    %dma_start3A_72 = arith.constant 0 : i32
    %dma_start3A_73 = tpu.memref_slice %arg3[%dma_start3A_71, %dma_start3A_72] : memref<1000000x32xf32, #tpu.memory_space<hbm>> -> memref<1000000x32xf32, #tpu.memory_space<hbm>>
    tpu.enqueue_indirect_dma source(%dma_start3A_73 : memref<1000000x32xf32, #tpu.memory_space<hbm>>) target(%dma_start3A_67 : memref<50x32xf32, #tpu.memory_space<vmem>>) offsets(%dma_start3A_70 : memref<50xi32, #tpu.memory_space<vmem>>) semaphore(%arg8 : memref<!tpu.dma_semaphore, #tpu.memory_space<semaphore_mem>>)
    %dma_start3A_74 = arith.constant 6 : i32
    %dma_start3A_75 = arith.constant 6 : i32
    %dma_start3A_76 = arith.constant 0 : i32
    %dma_start3A_77 = arith.constant 0 : i32
    %dma_start3A_78 = tpu.memref_slice %arg6[%dma_start3A_75, %dma_start3A_76, %dma_start3A_77] : memref<8x50x32xf32, #tpu.memory_space<vmem>> -> memref<1x50x32xf32, #tpu.memory_space<vmem>>
    %dma_start3A_79 = tpu.memref_squeeze %dma_start3A_78 : memref<1x50x32xf32, #tpu.memory_space<vmem>> -> memref<50x32xf32, #tpu.memory_space<vmem>>
    %dma_start3A_80 = arith.constant 0 : i32
    %dma_start3A_81 = tpu.memref_slice %arg5[%dma_start3A_74, %dma_start3A_80] : memref<512x50xi32, #tpu.memory_space<vmem>> -> memref<1x50xi32, #tpu.memory_space<vmem>>
    %dma_start3A_82 = tpu.memref_squeeze %dma_start3A_81 : memref<1x50xi32, #tpu.memory_space<vmem>> -> memref<50xi32, #tpu.memory_space<vmem>>
    %dma_start3A_83 = arith.constant 0 : i32
    %dma_start3A_84 = arith.constant 0 : i32
    %dma_start3A_85 = tpu.memref_slice %arg3[%dma_start3A_83, %dma_start3A_84] : memref<1000000x32xf32, #tpu.memory_space<hbm>> -> memref<1000000x32xf32, #tpu.memory_space<hbm>>
    tpu.enqueue_indirect_dma source(%dma_start3A_85 : memref<1000000x32xf32, #tpu.memory_space<hbm>>) target(%dma_start3A_79 : memref<50x32xf32, #tpu.memory_space<vmem>>) offsets(%dma_start3A_82 : memref<50xi32, #tpu.memory_space<vmem>>) semaphore(%arg8 : memref<!tpu.dma_semaphore, #tpu.memory_space<semaphore_mem>>)
    %dma_start3A_86 = arith.constant 7 : i32
    %dma_start3A_87 = arith.constant 7 : i32
    %dma_start3A_88 = arith.constant 0 : i32
    %dma_start3A_89 = arith.constant 0 : i32
    %dma_start3A_90 = tpu.memref_slice %arg6[%dma_start3A_87, %dma_start3A_88, %dma_start3A_89] : memref<8x50x32xf32, #tpu.memory_space<vmem>> -> memref<1x50x32xf32, #tpu.memory_space<vmem>>
    %dma_start3A_91 = tpu.memref_squeeze %dma_start3A_90 : memref<1x50x32xf32, #tpu.memory_space<vmem>> -> memref<50x32xf32, #tpu.memory_space<vmem>>
    %dma_start3A_92 = arith.constant 0 : i32
    %dma_start3A_93 = tpu.memref_slice %arg5[%dma_start3A_86, %dma_start3A_92] : memref<512x50xi32, #tpu.memory_space<vmem>> -> memref<1x50xi32, #tpu.memory_space<vmem>>
    %dma_start3A_94 = tpu.memref_squeeze %dma_start3A_93 : memref<1x50xi32, #tpu.memory_space<vmem>> -> memref<50xi32, #tpu.memory_space<vmem>>
    %dma_start3A_95 = arith.constant 0 : i32
    %dma_start3A_96 = arith.constant 0 : i32
    %dma_start3A_97 = tpu.memref_slice %arg3[%dma_start3A_95, %dma_start3A_96] : memref<1000000x32xf32, #tpu.memory_space<hbm>> -> memref<1000000x32xf32, #tpu.memory_space<hbm>>
    tpu.enqueue_indirect_dma source(%dma_start3A_97 : memref<1000000x32xf32, #tpu.memory_space<hbm>>) target(%dma_start3A_91 : memref<50x32xf32, #tpu.memory_space<vmem>>) offsets(%dma_start3A_94 : memref<50xi32, #tpu.memory_space<vmem>>) semaphore(%arg8 : memref<!tpu.dma_semaphore, #tpu.memory_space<semaphore_mem>>)
    %scan3A = arith.constant 0 : i32
    %scan3A_98 = arith.constant 32 : i32
    %scan3A_99 = arith.addi %scan3A, %scan3A_98 : i32
    %scan3A_100 = arith.constant 1 : i32
    scf.for %scan3A_102 = %scan3A to %scan3A_99 step %scan3A_100  : i32 {
      %mul3A_103 = arith.constant 1 : i32
      %mul3A_104 = arith.muli %scan3A_102, %mul3A_103 : i32
      %add3A_105 = arith.constant 0 : i32
      %add3A_106 = arith.addi %add3A_105, %mul3A_104 : i32
      %mul3A_107 = arith.constant 2 : i32
      %mul3A_108 = arith.muli %add3A_106, %mul3A_107 : i32
      %add3A_109 = arith.constant 1 : i32
      %add3A_110 = arith.addi %mul3A_108, %add3A_109 : i32
      %mul3A_111 = arith.constant 8 : i32
      %mul3A_112 = arith.muli %add3A_110, %mul3A_111 : i32
      %add3A_113 = arith.constant 0 : i32
      %add3A_114 = arith.addi %mul3A_112, %add3A_113 : i32
      %dma_start3A_115 = arith.constant 0 : i32
      %dma_start3A_116 = arith.constant 0 : i32
      %dma_start3A_117 = arith.constant 0 : i32
      %dma_start3A_118 = tpu.memref_slice %arg7[%dma_start3A_115, %dma_start3A_116, %dma_start3A_117] : memref<8x50x32xf32, #tpu.memory_space<vmem>> -> memref<1x50x32xf32, #tpu.memory_space<vmem>>
      %dma_start3A_119 = tpu.memref_squeeze %dma_start3A_118 : memref<1x50x32xf32, #tpu.memory_space<vmem>> -> memref<50x32xf32, #tpu.memory_space<vmem>>
      %dma_start3A_120 = arith.constant 0 : i32
      %dma_start3A_121 = tpu.memref_slice %arg5[%add3A_114, %dma_start3A_120] : memref<512x50xi32, #tpu.memory_space<vmem>> -> memref<1x50xi32, #tpu.memory_space<vmem>>
      %dma_start3A_122 = tpu.memref_squeeze %dma_start3A_121 : memref<1x50xi32, #tpu.memory_space<vmem>> -> memref<50xi32, #tpu.memory_space<vmem>>
      %dma_start3A_123 = arith.constant 0 : i32
      %dma_start3A_124 = arith.constant 0 : i32
      %dma_start3A_125 = tpu.memref_slice %arg3[%dma_start3A_123, %dma_start3A_124] : memref<1000000x32xf32, #tpu.memory_space<hbm>> -> memref<1000000x32xf32, #tpu.memory_space<hbm>>
      tpu.enqueue_indirect_dma source(%dma_start3A_125 : memref<1000000x32xf32, #tpu.memory_space<hbm>>) target(%dma_start3A_119 : memref<50x32xf32, #tpu.memory_space<vmem>>) offsets(%dma_start3A_122 : memref<50xi32, #tpu.memory_space<vmem>>) semaphore(%arg9 : memref<!tpu.dma_semaphore, #tpu.memory_space<semaphore_mem>>)
      %mul3A_126 = arith.constant 8 : i32
      %mul3A_127 = arith.muli %add3A_110, %mul3A_126 : i32
      %add3A_128 = arith.constant 1 : i32
      %add3A_129 = arith.addi %mul3A_127, %add3A_128 : i32
      %dma_start3A_130 = arith.constant 1 : i32
      %dma_start3A_131 = arith.constant 0 : i32
      %dma_start3A_132 = arith.constant 0 : i32
      %dma_start3A_133 = tpu.memref_slice %arg7[%dma_start3A_130, %dma_start3A_131, %dma_start3A_132] : memref<8x50x32xf32, #tpu.memory_space<vmem>> -> memref<1x50x32xf32, #tpu.memory_space<vmem>>
      %dma_start3A_134 = tpu.memref_squeeze %dma_start3A_133 : memref<1x50x32xf32, #tpu.memory_space<vmem>> -> memref<50x32xf32, #tpu.memory_space<vmem>>
      %dma_start3A_135 = arith.constant 0 : i32
      %dma_start3A_136 = tpu.memref_slice %arg5[%add3A_129, %dma_start3A_135] : memref<512x50xi32, #tpu.memory_space<vmem>> -> memref<1x50xi32, #tpu.memory_space<vmem>>
      %dma_start3A_137 = tpu.memref_squeeze %dma_start3A_136 : memref<1x50xi32, #tpu.memory_space<vmem>> -> memref<50xi32, #tpu.memory_space<vmem>>
      %dma_start3A_138 = arith.constant 0 : i32
      %dma_start3A_139 = arith.constant 0 : i32
      %dma_start3A_140 = tpu.memref_slice %arg3[%dma_start3A_138, %dma_start3A_139] : memref<1000000x32xf32, #tpu.memory_space<hbm>> -> memref<1000000x32xf32, #tpu.memory_space<hbm>>
      tpu.enqueue_indirect_dma source(%dma_start3A_140 : memref<1000000x32xf32, #tpu.memory_space<hbm>>) target(%dma_start3A_134 : memref<50x32xf32, #tpu.memory_space<vmem>>) offsets(%dma_start3A_137 : memref<50xi32, #tpu.memory_space<vmem>>) semaphore(%arg9 : memref<!tpu.dma_semaphore, #tpu.memory_space<semaphore_mem>>)
      %mul3A_141 = arith.constant 8 : i32
      %mul3A_142 = arith.muli %add3A_110, %mul3A_141 : i32
      %add3A_143 = arith.constant 2 : i32
      %add3A_144 = arith.addi %mul3A_142, %add3A_143 : i32
      %dma_start3A_145 = arith.constant 2 : i32
      %dma_start3A_146 = arith.constant 0 : i32
      %dma_start3A_147 = arith.constant 0 : i32
      %dma_start3A_148 = tpu.memref_slice %arg7[%dma_start3A_145, %dma_start3A_146, %dma_start3A_147] : memref<8x50x32xf32, #tpu.memory_space<vmem>> -> memref<1x50x32xf32, #tpu.memory_space<vmem>>
      %dma_start3A_149 = tpu.memref_squeeze %dma_start3A_148 : memref<1x50x32xf32, #tpu.memory_space<vmem>> -> memref<50x32xf32, #tpu.memory_space<vmem>>
      %dma_start3A_150 = arith.constant 0 : i32
      %dma_start3A_151 = tpu.memref_slice %arg5[%add3A_144, %dma_start3A_150] : memref<512x50xi32, #tpu.memory_space<vmem>> -> memref<1x50xi32, #tpu.memory_space<vmem>>
      %dma_start3A_152 = tpu.memref_squeeze %dma_start3A_151 : memref<1x50xi32, #tpu.memory_space<vmem>> -> memref<50xi32, #tpu.memory_space<vmem>>
      %dma_start3A_153 = arith.constant 0 : i32
      %dma_start3A_154 = arith.constant 0 : i32
      %dma_start3A_155 = tpu.memref_slice %arg3[%dma_start3A_153, %dma_start3A_154] : memref<1000000x32xf32, #tpu.memory_space<hbm>> -> memref<1000000x32xf32, #tpu.memory_space<hbm>>
      tpu.enqueue_indirect_dma source(%dma_start3A_155 : memref<1000000x32xf32, #tpu.memory_space<hbm>>) target(%dma_start3A_149 : memref<50x32xf32, #tpu.memory_space<vmem>>) offsets(%dma_start3A_152 : memref<50xi32, #tpu.memory_space<vmem>>) semaphore(%arg9 : memref<!tpu.dma_semaphore, #tpu.memory_space<semaphore_mem>>)
      %mul3A_156 = arith.constant 8 : i32
      %mul3A_157 = arith.muli %add3A_110, %mul3A_156 : i32
      %add3A_158 = arith.constant 3 : i32
      %add3A_159 = arith.addi %mul3A_157, %add3A_158 : i32
      %dma_start3A_160 = arith.constant 3 : i32
      %dma_start3A_161 = arith.constant 0 : i32
      %dma_start3A_162 = arith.constant 0 : i32
      %dma_start3A_163 = tpu.memref_slice %arg7[%dma_start3A_160, %dma_start3A_161, %dma_start3A_162] : memref<8x50x32xf32, #tpu.memory_space<vmem>> -> memref<1x50x32xf32, #tpu.memory_space<vmem>>
      %dma_start3A_164 = tpu.memref_squeeze %dma_start3A_163 : memref<1x50x32xf32, #tpu.memory_space<vmem>> -> memref<50x32xf32, #tpu.memory_space<vmem>>
      %dma_start3A_165 = arith.constant 0 : i32
      %dma_start3A_166 = tpu.memref_slice %arg5[%add3A_159, %dma_start3A_165] : memref<512x50xi32, #tpu.memory_space<vmem>> -> memref<1x50xi32, #tpu.memory_space<vmem>>
      %dma_start3A_167 = tpu.memref_squeeze %dma_start3A_166 : memref<1x50xi32, #tpu.memory_space<vmem>> -> memref<50xi32, #tpu.memory_space<vmem>>
      %dma_start3A_168 = arith.constant 0 : i32
      %dma_start3A_169 = arith.constant 0 : i32
      %dma_start3A_170 = tpu.memref_slice %arg3[%dma_start3A_168, %dma_start3A_169] : memref<1000000x32xf32, #tpu.memory_space<hbm>> -> memref<1000000x32xf32, #tpu.memory_space<hbm>>
      tpu.enqueue_indirect_dma source(%dma_start3A_170 : memref<1000000x32xf32, #tpu.memory_space<hbm>>) target(%dma_start3A_164 : memref<50x32xf32, #tpu.memory_space<vmem>>) offsets(%dma_start3A_167 : memref<50xi32, #tpu.memory_space<vmem>>) semaphore(%arg9 : memref<!tpu.dma_semaphore, #tpu.memory_space<semaphore_mem>>)
      %mul3A_171 = arith.constant 8 : i32
      %mul3A_172 = arith.muli %add3A_110, %mul3A_171 : i32
      %add3A_173 = arith.constant 4 : i32
      %add3A_174 = arith.addi %mul3A_172, %add3A_173 : i32
      %dma_start3A_175 = arith.constant 4 : i32
      %dma_start3A_176 = arith.constant 0 : i32
      %dma_start3A_177 = arith.constant 0 : i32
      %dma_start3A_178 = tpu.memref_slice %arg7[%dma_start3A_175, %dma_start3A_176, %dma_start3A_177] : memref<8x50x32xf32, #tpu.memory_space<vmem>> -> memref<1x50x32xf32, #tpu.memory_space<vmem>>
      %dma_start3A_179 = tpu.memref_squeeze %dma_start3A_178 : memref<1x50x32xf32, #tpu.memory_space<vmem>> -> memref<50x32xf32, #tpu.memory_space<vmem>>
      %dma_start3A_180 = arith.constant 0 : i32
      %dma_start3A_181 = tpu.memref_slice %arg5[%add3A_174, %dma_start3A_180] : memref<512x50xi32, #tpu.memory_space<vmem>> -> memref<1x50xi32, #tpu.memory_space<vmem>>
      %dma_start3A_182 = tpu.memref_squeeze %dma_start3A_181 : memref<1x50xi32, #tpu.memory_space<vmem>> -> memref<50xi32, #tpu.memory_space<vmem>>
      %dma_start3A_183 = arith.constant 0 : i32
      %dma_start3A_184 = arith.constant 0 : i32
      %dma_start3A_185 = tpu.memref_slice %arg3[%dma_start3A_183, %dma_start3A_184] : memref<1000000x32xf32, #tpu.memory_space<hbm>> -> memref<1000000x32xf32, #tpu.memory_space<hbm>>
      tpu.enqueue_indirect_dma source(%dma_start3A_185 : memref<1000000x32xf32, #tpu.memory_space<hbm>>) target(%dma_start3A_179 : memref<50x32xf32, #tpu.memory_space<vmem>>) offsets(%dma_start3A_182 : memref<50xi32, #tpu.memory_space<vmem>>) semaphore(%arg9 : memref<!tpu.dma_semaphore, #tpu.memory_space<semaphore_mem>>)
      %mul3A_186 = arith.constant 8 : i32
      %mul3A_187 = arith.muli %add3A_110, %mul3A_186 : i32
      %add3A_188 = arith.constant 5 : i32
      %add3A_189 = arith.addi %mul3A_187, %add3A_188 : i32
      %dma_start3A_190 = arith.constant 5 : i32
      %dma_start3A_191 = arith.constant 0 : i32
      %dma_start3A_192 = arith.constant 0 : i32
      %dma_start3A_193 = tpu.memref_slice %arg7[%dma_start3A_190, %dma_start3A_191, %dma_start3A_192] : memref<8x50x32xf32, #tpu.memory_space<vmem>> -> memref<1x50x32xf32, #tpu.memory_space<vmem>>
      %dma_start3A_194 = tpu.memref_squeeze %dma_start3A_193 : memref<1x50x32xf32, #tpu.memory_space<vmem>> -> memref<50x32xf32, #tpu.memory_space<vmem>>
      %dma_start3A_195 = arith.constant 0 : i32
      %dma_start3A_196 = tpu.memref_slice %arg5[%add3A_189, %dma_start3A_195] : memref<512x50xi32, #tpu.memory_space<vmem>> -> memref<1x50xi32, #tpu.memory_space<vmem>>
      %dma_start3A_197 = tpu.memref_squeeze %dma_start3A_196 : memref<1x50xi32, #tpu.memory_space<vmem>> -> memref<50xi32, #tpu.memory_space<vmem>>
      %dma_start3A_198 = arith.constant 0 : i32
      %dma_start3A_199 = arith.constant 0 : i32
      %dma_start3A_200 = tpu.memref_slice %arg3[%dma_start3A_198, %dma_start3A_199] : memref<1000000x32xf32, #tpu.memory_space<hbm>> -> memref<1000000x32xf32, #tpu.memory_space<hbm>>
      tpu.enqueue_indirect_dma source(%dma_start3A_200 : memref<1000000x32xf32, #tpu.memory_space<hbm>>) target(%dma_start3A_194 : memref<50x32xf32, #tpu.memory_space<vmem>>) offsets(%dma_start3A_197 : memref<50xi32, #tpu.memory_space<vmem>>) semaphore(%arg9 : memref<!tpu.dma_semaphore, #tpu.memory_space<semaphore_mem>>)
      %mul3A_201 = arith.constant 8 : i32
      %mul3A_202 = arith.muli %add3A_110, %mul3A_201 : i32
      %add3A_203 = arith.constant 6 : i32
      %add3A_204 = arith.addi %mul3A_202, %add3A_203 : i32
      %dma_start3A_205 = arith.constant 6 : i32
      %dma_start3A_206 = arith.constant 0 : i32
      %dma_start3A_207 = arith.constant 0 : i32
      %dma_start3A_208 = tpu.memref_slice %arg7[%dma_start3A_205, %dma_start3A_206, %dma_start3A_207] : memref<8x50x32xf32, #tpu.memory_space<vmem>> -> memref<1x50x32xf32, #tpu.memory_space<vmem>>
      %dma_start3A_209 = tpu.memref_squeeze %dma_start3A_208 : memref<1x50x32xf32, #tpu.memory_space<vmem>> -> memref<50x32xf32, #tpu.memory_space<vmem>>
      %dma_start3A_210 = arith.constant 0 : i32
      %dma_start3A_211 = tpu.memref_slice %arg5[%add3A_204, %dma_start3A_210] : memref<512x50xi32, #tpu.memory_space<vmem>> -> memref<1x50xi32, #tpu.memory_space<vmem>>
      %dma_start3A_212 = tpu.memref_squeeze %dma_start3A_211 : memref<1x50xi32, #tpu.memory_space<vmem>> -> memref<50xi32, #tpu.memory_space<vmem>>
      %dma_start3A_213 = arith.constant 0 : i32
      %dma_start3A_214 = arith.constant 0 : i32
      %dma_start3A_215 = tpu.memref_slice %arg3[%dma_start3A_213, %dma_start3A_214] : memref<1000000x32xf32, #tpu.memory_space<hbm>> -> memref<1000000x32xf32, #tpu.memory_space<hbm>>
      tpu.enqueue_indirect_dma source(%dma_start3A_215 : memref<1000000x32xf32, #tpu.memory_space<hbm>>) target(%dma_start3A_209 : memref<50x32xf32, #tpu.memory_space<vmem>>) offsets(%dma_start3A_212 : memref<50xi32, #tpu.memory_space<vmem>>) semaphore(%arg9 : memref<!tpu.dma_semaphore, #tpu.memory_space<semaphore_mem>>)
      %mul3A_216 = arith.constant 8 : i32
      %mul3A_217 = arith.muli %add3A_110, %mul3A_216 : i32
      %add3A_218 = arith.constant 7 : i32
      %add3A_219 = arith.addi %mul3A_217, %add3A_218 : i32
      %dma_start3A_220 = arith.constant 7 : i32
      %dma_start3A_221 = arith.constant 0 : i32
      %dma_start3A_222 = arith.constant 0 : i32
      %dma_start3A_223 = tpu.memref_slice %arg7[%dma_start3A_220, %dma_start3A_221, %dma_start3A_222] : memref<8x50x32xf32, #tpu.memory_space<vmem>> -> memref<1x50x32xf32, #tpu.memory_space<vmem>>
      %dma_start3A_224 = tpu.memref_squeeze %dma_start3A_223 : memref<1x50x32xf32, #tpu.memory_space<vmem>> -> memref<50x32xf32, #tpu.memory_space<vmem>>
      %dma_start3A_225 = arith.constant 0 : i32
      %dma_start3A_226 = tpu.memref_slice %arg5[%add3A_219, %dma_start3A_225] : memref<512x50xi32, #tpu.memory_space<vmem>> -> memref<1x50xi32, #tpu.memory_space<vmem>>
      %dma_start3A_227 = tpu.memref_squeeze %dma_start3A_226 : memref<1x50xi32, #tpu.memory_space<vmem>> -> memref<50xi32, #tpu.memory_space<vmem>>
      %dma_start3A_228 = arith.constant 0 : i32
      %dma_start3A_229 = arith.constant 0 : i32
      %dma_start3A_230 = tpu.memref_slice %arg3[%dma_start3A_228, %dma_start3A_229] : memref<1000000x32xf32, #tpu.memory_space<hbm>> -> memref<1000000x32xf32, #tpu.memory_space<hbm>>
      tpu.enqueue_indirect_dma source(%dma_start3A_230 : memref<1000000x32xf32, #tpu.memory_space<hbm>>) target(%dma_start3A_224 : memref<50x32xf32, #tpu.memory_space<vmem>>) offsets(%dma_start3A_227 : memref<50xi32, #tpu.memory_space<vmem>>) semaphore(%arg9 : memref<!tpu.dma_semaphore, #tpu.memory_space<semaphore_mem>>)
      %mul3A_231 = arith.constant 8 : i32
      %mul3A_232 = arith.muli %mul3A_108, %mul3A_231 : i32
      %add3A_233 = arith.constant 0 : i32
      %add3A_234 = arith.addi %mul3A_232, %add3A_233 : i32
      %dma_wait3A = arith.constant 0 : i32
      %dma_wait3A_235 = arith.constant 0 : i32
      %dma_wait3A_236 = arith.constant 0 : i32
      %dma_wait3A_237 = tpu.memref_slice %arg6[%dma_wait3A, %dma_wait3A_235, %dma_wait3A_236] : memref<8x50x32xf32, #tpu.memory_space<vmem>> -> memref<1x50x32xf32, #tpu.memory_space<vmem>>
      %dma_wait3A_238 = tpu.memref_squeeze %dma_wait3A_237 : memref<1x50x32xf32, #tpu.memory_space<vmem>> -> memref<50x32xf32, #tpu.memory_space<vmem>>
      %dma_wait3A_239 = arith.constant 0 : i32
      %dma_wait3A_240 = tpu.memref_slice %arg5[%add3A_234, %dma_wait3A_239] : memref<512x50xi32, #tpu.memory_space<vmem>> -> memref<1x50xi32, #tpu.memory_space<vmem>>
      %dma_wait3A_241 = tpu.memref_squeeze %dma_wait3A_240 : memref<1x50xi32, #tpu.memory_space<vmem>> -> memref<50xi32, #tpu.memory_space<vmem>>
      %dma_wait3A_242 = arith.constant 0 : i32
      %dma_wait3A_243 = arith.constant 0 : i32
      %dma_wait3A_244 = tpu.memref_slice %arg3[%dma_wait3A_242, %dma_wait3A_243] : memref<1000000x32xf32, #tpu.memory_space<hbm>> -> memref<1000000x32xf32, #tpu.memory_space<hbm>>
      tpu.wait_indirect_dma semaphore(%arg8 : memref<!tpu.dma_semaphore, #tpu.memory_space<semaphore_mem>>) src(%dma_wait3A_244 : memref<1000000x32xf32, #tpu.memory_space<hbm>>) dst(%dma_wait3A_238 : memref<50x32xf32, #tpu.memory_space<vmem>>)
      %mul3A_245 = arith.constant 8 : i32
      %mul3A_246 = arith.muli %mul3A_108, %mul3A_245 : i32
      %add3A_247 = arith.constant 1 : i32
      %add3A_248 = arith.addi %mul3A_246, %add3A_247 : i32
      %dma_wait3A_249 = arith.constant 1 : i32
      %dma_wait3A_250 = arith.constant 0 : i32
      %dma_wait3A_251 = arith.constant 0 : i32
      %dma_wait3A_252 = tpu.memref_slice %arg6[%dma_wait3A_249, %dma_wait3A_250, %dma_wait3A_251] : memref<8x50x32xf32, #tpu.memory_space<vmem>> -> memref<1x50x32xf32, #tpu.memory_space<vmem>>
      %dma_wait3A_253 = tpu.memref_squeeze %dma_wait3A_252 : memref<1x50x32xf32, #tpu.memory_space<vmem>> -> memref<50x32xf32, #tpu.memory_space<vmem>>
      %dma_wait3A_254 = arith.constant 0 : i32
      %dma_wait3A_255 = tpu.memref_slice %arg5[%add3A_248, %dma_wait3A_254] : memref<512x50xi32, #tpu.memory_space<vmem>> -> memref<1x50xi32, #tpu.memory_space<vmem>>
      %dma_wait3A_256 = tpu.memref_squeeze %dma_wait3A_255 : memref<1x50xi32, #tpu.memory_space<vmem>> -> memref<50xi32, #tpu.memory_space<vmem>>
      %dma_wait3A_257 = arith.constant 0 : i32
      %dma_wait3A_258 = arith.constant 0 : i32
      %dma_wait3A_259 = tpu.memref_slice %arg3[%dma_wait3A_257, %dma_wait3A_258] : memref<1000000x32xf32, #tpu.memory_space<hbm>> -> memref<1000000x32xf32, #tpu.memory_space<hbm>>
      tpu.wait_indirect_dma semaphore(%arg8 : memref<!tpu.dma_semaphore, #tpu.memory_space<semaphore_mem>>) src(%dma_wait3A_259 : memref<1000000x32xf32, #tpu.memory_space<hbm>>) dst(%dma_wait3A_253 : memref<50x32xf32, #tpu.memory_space<vmem>>)
      %mul3A_260 = arith.constant 8 : i32
      %mul3A_261 = arith.muli %mul3A_108, %mul3A_260 : i32
      %add3A_262 = arith.constant 2 : i32
      %add3A_263 = arith.addi %mul3A_261, %add3A_262 : i32
      %dma_wait3A_264 = arith.constant 2 : i32
      %dma_wait3A_265 = arith.constant 0 : i32
      %dma_wait3A_266 = arith.constant 0 : i32
      %dma_wait3A_267 = tpu.memref_slice %arg6[%dma_wait3A_264, %dma_wait3A_265, %dma_wait3A_266] : memref<8x50x32xf32, #tpu.memory_space<vmem>> -> memref<1x50x32xf32, #tpu.memory_space<vmem>>
      %dma_wait3A_268 = tpu.memref_squeeze %dma_wait3A_267 : memref<1x50x32xf32, #tpu.memory_space<vmem>> -> memref<50x32xf32, #tpu.memory_space<vmem>>
      %dma_wait3A_269 = arith.constant 0 : i32
      %dma_wait3A_270 = tpu.memref_slice %arg5[%add3A_263, %dma_wait3A_269] : memref<512x50xi32, #tpu.memory_space<vmem>> -> memref<1x50xi32, #tpu.memory_space<vmem>>
      %dma_wait3A_271 = tpu.memref_squeeze %dma_wait3A_270 : memref<1x50xi32, #tpu.memory_space<vmem>> -> memref<50xi32, #tpu.memory_space<vmem>>
      %dma_wait3A_272 = arith.constant 0 : i32
      %dma_wait3A_273 = arith.constant 0 : i32
      %dma_wait3A_274 = tpu.memref_slice %arg3[%dma_wait3A_272, %dma_wait3A_273] : memref<1000000x32xf32, #tpu.memory_space<hbm>> -> memref<1000000x32xf32, #tpu.memory_space<hbm>>
      tpu.wait_indirect_dma semaphore(%arg8 : memref<!tpu.dma_semaphore, #tpu.memory_space<semaphore_mem>>) src(%dma_wait3A_274 : memref<1000000x32xf32, #tpu.memory_space<hbm>>) dst(%dma_wait3A_268 : memref<50x32xf32, #tpu.memory_space<vmem>>)
      %mul3A_275 = arith.constant 8 : i32
      %mul3A_276 = arith.muli %mul3A_108, %mul3A_275 : i32
      %add3A_277 = arith.constant 3 : i32
      %add3A_278 = arith.addi %mul3A_276, %add3A_277 : i32
      %dma_wait3A_279 = arith.constant 3 : i32
      %dma_wait3A_280 = arith.constant 0 : i32
      %dma_wait3A_281 = arith.constant 0 : i32
      %dma_wait3A_282 = tpu.memref_slice %arg6[%dma_wait3A_279, %dma_wait3A_280, %dma_wait3A_281] : memref<8x50x32xf32, #tpu.memory_space<vmem>> -> memref<1x50x32xf32, #tpu.memory_space<vmem>>
      %dma_wait3A_283 = tpu.memref_squeeze %dma_wait3A_282 : memref<1x50x32xf32, #tpu.memory_space<vmem>> -> memref<50x32xf32, #tpu.memory_space<vmem>>
      %dma_wait3A_284 = arith.constant 0 : i32
      %dma_wait3A_285 = tpu.memref_slice %arg5[%add3A_278, %dma_wait3A_284] : memref<512x50xi32, #tpu.memory_space<vmem>> -> memref<1x50xi32, #tpu.memory_space<vmem>>
      %dma_wait3A_286 = tpu.memref_squeeze %dma_wait3A_285 : memref<1x50xi32, #tpu.memory_space<vmem>> -> memref<50xi32, #tpu.memory_space<vmem>>
      %dma_wait3A_287 = arith.constant 0 : i32
      %dma_wait3A_288 = arith.constant 0 : i32
      %dma_wait3A_289 = tpu.memref_slice %arg3[%dma_wait3A_287, %dma_wait3A_288] : memref<1000000x32xf32, #tpu.memory_space<hbm>> -> memref<1000000x32xf32, #tpu.memory_space<hbm>>
      tpu.wait_indirect_dma semaphore(%arg8 : memref<!tpu.dma_semaphore, #tpu.memory_space<semaphore_mem>>) src(%dma_wait3A_289 : memref<1000000x32xf32, #tpu.memory_space<hbm>>) dst(%dma_wait3A_283 : memref<50x32xf32, #tpu.memory_space<vmem>>)
      %mul3A_290 = arith.constant 8 : i32
      %mul3A_291 = arith.muli %mul3A_108, %mul3A_290 : i32
      %add3A_292 = arith.constant 4 : i32
      %add3A_293 = arith.addi %mul3A_291, %add3A_292 : i32
      %dma_wait3A_294 = arith.constant 4 : i32
      %dma_wait3A_295 = arith.constant 0 : i32
      %dma_wait3A_296 = arith.constant 0 : i32
      %dma_wait3A_297 = tpu.memref_slice %arg6[%dma_wait3A_294, %dma_wait3A_295, %dma_wait3A_296] : memref<8x50x32xf32, #tpu.memory_space<vmem>> -> memref<1x50x32xf32, #tpu.memory_space<vmem>>
      %dma_wait3A_298 = tpu.memref_squeeze %dma_wait3A_297 : memref<1x50x32xf32, #tpu.memory_space<vmem>> -> memref<50x32xf32, #tpu.memory_space<vmem>>
      %dma_wait3A_299 = arith.constant 0 : i32
      %dma_wait3A_300 = tpu.memref_slice %arg5[%add3A_293, %dma_wait3A_299] : memref<512x50xi32, #tpu.memory_space<vmem>> -> memref<1x50xi32, #tpu.memory_space<vmem>>
      %dma_wait3A_301 = tpu.memref_squeeze %dma_wait3A_300 : memref<1x50xi32, #tpu.memory_space<vmem>> -> memref<50xi32, #tpu.memory_space<vmem>>
      %dma_wait3A_302 = arith.constant 0 : i32
      %dma_wait3A_303 = arith.constant 0 : i32
      %dma_wait3A_304 = tpu.memref_slice %arg3[%dma_wait3A_302, %dma_wait3A_303] : memref<1000000x32xf32, #tpu.memory_space<hbm>> -> memref<1000000x32xf32, #tpu.memory_space<hbm>>
      tpu.wait_indirect_dma semaphore(%arg8 : memref<!tpu.dma_semaphore, #tpu.memory_space<semaphore_mem>>) src(%dma_wait3A_304 : memref<1000000x32xf32, #tpu.memory_space<hbm>>) dst(%dma_wait3A_298 : memref<50x32xf32, #tpu.memory_space<vmem>>)
      %mul3A_305 = arith.constant 8 : i32
      %mul3A_306 = arith.muli %mul3A_108, %mul3A_305 : i32
      %add3A_307 = arith.constant 5 : i32
      %add3A_308 = arith.addi %mul3A_306, %add3A_307 : i32
      %dma_wait3A_309 = arith.constant 5 : i32
      %dma_wait3A_310 = arith.constant 0 : i32
      %dma_wait3A_311 = arith.constant 0 : i32
      %dma_wait3A_312 = tpu.memref_slice %arg6[%dma_wait3A_309, %dma_wait3A_310, %dma_wait3A_311] : memref<8x50x32xf32, #tpu.memory_space<vmem>> -> memref<1x50x32xf32, #tpu.memory_space<vmem>>
      %dma_wait3A_313 = tpu.memref_squeeze %dma_wait3A_312 : memref<1x50x32xf32, #tpu.memory_space<vmem>> -> memref<50x32xf32, #tpu.memory_space<vmem>>
      %dma_wait3A_314 = arith.constant 0 : i32
      %dma_wait3A_315 = tpu.memref_slice %arg5[%add3A_308, %dma_wait3A_314] : memref<512x50xi32, #tpu.memory_space<vmem>> -> memref<1x50xi32, #tpu.memory_space<vmem>>
      %dma_wait3A_316 = tpu.memref_squeeze %dma_wait3A_315 : memref<1x50xi32, #tpu.memory_space<vmem>> -> memref<50xi32, #tpu.memory_space<vmem>>
      %dma_wait3A_317 = arith.constant 0 : i32
      %dma_wait3A_318 = arith.constant 0 : i32
      %dma_wait3A_319 = tpu.memref_slice %arg3[%dma_wait3A_317, %dma_wait3A_318] : memref<1000000x32xf32, #tpu.memory_space<hbm>> -> memref<1000000x32xf32, #tpu.memory_space<hbm>>
      tpu.wait_indirect_dma semaphore(%arg8 : memref<!tpu.dma_semaphore, #tpu.memory_space<semaphore_mem>>) src(%dma_wait3A_319 : memref<1000000x32xf32, #tpu.memory_space<hbm>>) dst(%dma_wait3A_313 : memref<50x32xf32, #tpu.memory_space<vmem>>)
      %mul3A_320 = arith.constant 8 : i32
      %mul3A_321 = arith.muli %mul3A_108, %mul3A_320 : i32
      %add3A_322 = arith.constant 6 : i32
      %add3A_323 = arith.addi %mul3A_321, %add3A_322 : i32
      %dma_wait3A_324 = arith.constant 6 : i32
      %dma_wait3A_325 = arith.constant 0 : i32
      %dma_wait3A_326 = arith.constant 0 : i32
      %dma_wait3A_327 = tpu.memref_slice %arg6[%dma_wait3A_324, %dma_wait3A_325, %dma_wait3A_326] : memref<8x50x32xf32, #tpu.memory_space<vmem>> -> memref<1x50x32xf32, #tpu.memory_space<vmem>>
      %dma_wait3A_328 = tpu.memref_squeeze %dma_wait3A_327 : memref<1x50x32xf32, #tpu.memory_space<vmem>> -> memref<50x32xf32, #tpu.memory_space<vmem>>
      %dma_wait3A_329 = arith.constant 0 : i32
      %dma_wait3A_330 = tpu.memref_slice %arg5[%add3A_323, %dma_wait3A_329] : memref<512x50xi32, #tpu.memory_space<vmem>> -> memref<1x50xi32, #tpu.memory_space<vmem>>
      %dma_wait3A_331 = tpu.memref_squeeze %dma_wait3A_330 : memref<1x50xi32, #tpu.memory_space<vmem>> -> memref<50xi32, #tpu.memory_space<vmem>>
      %dma_wait3A_332 = arith.constant 0 : i32
      %dma_wait3A_333 = arith.constant 0 : i32
      %dma_wait3A_334 = tpu.memref_slice %arg3[%dma_wait3A_332, %dma_wait3A_333] : memref<1000000x32xf32, #tpu.memory_space<hbm>> -> memref<1000000x32xf32, #tpu.memory_space<hbm>>
      tpu.wait_indirect_dma semaphore(%arg8 : memref<!tpu.dma_semaphore, #tpu.memory_space<semaphore_mem>>) src(%dma_wait3A_334 : memref<1000000x32xf32, #tpu.memory_space<hbm>>) dst(%dma_wait3A_328 : memref<50x32xf32, #tpu.memory_space<vmem>>)
      %mul3A_335 = arith.constant 8 : i32
      %mul3A_336 = arith.muli %mul3A_108, %mul3A_335 : i32
      %add3A_337 = arith.constant 7 : i32
      %add3A_338 = arith.addi %mul3A_336, %add3A_337 : i32
      %dma_wait3A_339 = arith.constant 7 : i32
      %dma_wait3A_340 = arith.constant 0 : i32
      %dma_wait3A_341 = arith.constant 0 : i32
      %dma_wait3A_342 = tpu.memref_slice %arg6[%dma_wait3A_339, %dma_wait3A_340, %dma_wait3A_341] : memref<8x50x32xf32, #tpu.memory_space<vmem>> -> memref<1x50x32xf32, #tpu.memory_space<vmem>>
      %dma_wait3A_343 = tpu.memref_squeeze %dma_wait3A_342 : memref<1x50x32xf32, #tpu.memory_space<vmem>> -> memref<50x32xf32, #tpu.memory_space<vmem>>
      %dma_wait3A_344 = arith.constant 0 : i32
      %dma_wait3A_345 = tpu.memref_slice %arg5[%add3A_338, %dma_wait3A_344] : memref<512x50xi32, #tpu.memory_space<vmem>> -> memref<1x50xi32, #tpu.memory_space<vmem>>
      %dma_wait3A_346 = tpu.memref_squeeze %dma_wait3A_345 : memref<1x50xi32, #tpu.memory_space<vmem>> -> memref<50xi32, #tpu.memory_space<vmem>>
      %dma_wait3A_347 = arith.constant 0 : i32
      %dma_wait3A_348 = arith.constant 0 : i32
      %dma_wait3A_349 = tpu.memref_slice %arg3[%dma_wait3A_347, %dma_wait3A_348] : memref<1000000x32xf32, #tpu.memory_space<hbm>> -> memref<1000000x32xf32, #tpu.memory_space<hbm>>
      tpu.wait_indirect_dma semaphore(%arg8 : memref<!tpu.dma_semaphore, #tpu.memory_space<semaphore_mem>>) src(%dma_wait3A_349 : memref<1000000x32xf32, #tpu.memory_space<hbm>>) dst(%dma_wait3A_343 : memref<50x32xf32, #tpu.memory_space<vmem>>)
      %mul3A_350 = arith.constant 8 : i32
      %mul3A_351 = arith.muli %mul3A_108, %mul3A_350 : i32
      %add3A_352 = arith.addi %mul3A_2, %mul3A_351 : i32
      "tpu.region"() ({
        %run_scoped3A = tpu.sem_alloc : memref<!tpu.dma_semaphore, #tpu.memory_space<semaphore_mem>>
        %dma_start3A_484 = arith.constant 0 : i32
        %dma_start3A_485 = arith.constant 0 : i32
        %dma_start3A_486 = tpu.memref_slice %arg4[%add3A_352, %dma_start3A_484, %dma_start3A_485] : memref<16384x50x32xf32, #tpu.memory_space<hbm>> -> memref<8x50x32xf32, #tpu.memory_space<hbm>>
        %dma_start3A_487 = arith.constant 0 : i32
        %dma_start3A_488 = arith.constant 0 : i32
        %dma_start3A_489 = tpu.memref_slice %arg4[%add3A_352, %dma_start3A_487, %dma_start3A_488] : memref<16384x50x32xf32, #tpu.memory_space<hbm>> -> memref<8x50x32xf32, #tpu.memory_space<hbm>>
        tpu.enqueue_dma source(%arg6 : memref<8x50x32xf32, #tpu.memory_space<vmem>>) target(%dma_start3A_489 : memref<8x50x32xf32, #tpu.memory_space<hbm>>) target_semaphore(%run_scoped3A : memref<!tpu.dma_semaphore, #tpu.memory_space<semaphore_mem>>)
        %dma_wait3A_490 = arith.constant 0 : i32
        %dma_wait3A_491 = arith.constant 0 : i32
        %dma_wait3A_492 = tpu.memref_slice %arg4[%add3A_352, %dma_wait3A_490, %dma_wait3A_491] : memref<16384x50x32xf32, #tpu.memory_space<hbm>> -> memref<8x50x32xf32, #tpu.memory_space<hbm>>
        %dma_wait3A_493 = arith.constant 0 : i32
        %dma_wait3A_494 = arith.constant 0 : i32
        %dma_wait3A_495 = tpu.memref_slice %arg4[%add3A_352, %dma_wait3A_493, %dma_wait3A_494] : memref<16384x50x32xf32, #tpu.memory_space<hbm>> -> memref<8x50x32xf32, #tpu.memory_space<hbm>>
        tpu.wait_dma2 semaphore(%run_scoped3A : memref<!tpu.dma_semaphore, #tpu.memory_space<semaphore_mem>>) src(%arg6 : memref<8x50x32xf32, #tpu.memory_space<vmem>>) dst(%dma_wait3A_495 : memref<8x50x32xf32, #tpu.memory_space<hbm>>)
        tpu.yield
      }) : () -> ()
      %add3A_353 = arith.constant 2 : i32
      %add3A_354 = arith.addi %mul3A_108, %add3A_353 : i32
      %lt3A = arith.constant 64 : i32
      %lt3A_355 = arith.cmpi slt, %add3A_354, %lt3A : i32
      %convert_element_type3A = arith.extui %lt3A_355 : i1 to i32
      %cond3A = arith.constant 0 : i32
      %cond3A_356 = arith.cmpi ne, %convert_element_type3A, %cond3A : i32
      scf.if %cond3A_356 {
        %add3A_484 = arith.constant 2 : i32
        %add3A_485 = arith.addi %mul3A_108, %add3A_484 : i32
        %mul3A_486 = arith.constant 8 : i32
        %mul3A_487 = arith.muli %add3A_485, %mul3A_486 : i32
        %add3A_488 = arith.constant 0 : i32
        %add3A_489 = arith.addi %mul3A_487, %add3A_488 : i32
        %dma_start3A_490 = arith.constant 0 : i32
        %dma_start3A_491 = arith.constant 0 : i32
        %dma_start3A_492 = arith.constant 0 : i32
        %dma_start3A_493 = tpu.memref_slice %arg6[%dma_start3A_490, %dma_start3A_491, %dma_start3A_492] : memref<8x50x32xf32, #tpu.memory_space<vmem>> -> memref<1x50x32xf32, #tpu.memory_space<vmem>>
        %dma_start3A_494 = tpu.memref_squeeze %dma_start3A_493 : memref<1x50x32xf32, #tpu.memory_space<vmem>> -> memref<50x32xf32, #tpu.memory_space<vmem>>
        %dma_start3A_495 = arith.constant 0 : i32
        %dma_start3A_496 = tpu.memref_slice %arg5[%add3A_489, %dma_start3A_495] : memref<512x50xi32, #tpu.memory_space<vmem>> -> memref<1x50xi32, #tpu.memory_space<vmem>>
        %dma_start3A_497 = tpu.memref_squeeze %dma_start3A_496 : memref<1x50xi32, #tpu.memory_space<vmem>> -> memref<50xi32, #tpu.memory_space<vmem>>
        %dma_start3A_498 = arith.constant 0 : i32
        %dma_start3A_499 = arith.constant 0 : i32
        %dma_start3A_500 = tpu.memref_slice %arg3[%dma_start3A_498, %dma_start3A_499] : memref<1000000x32xf32, #tpu.memory_space<hbm>> -> memref<1000000x32xf32, #tpu.memory_space<hbm>>
        tpu.enqueue_indirect_dma source(%dma_start3A_500 : memref<1000000x32xf32, #tpu.memory_space<hbm>>) target(%dma_start3A_494 : memref<50x32xf32, #tpu.memory_space<vmem>>) offsets(%dma_start3A_497 : memref<50xi32, #tpu.memory_space<vmem>>) semaphore(%arg8 : memref<!tpu.dma_semaphore, #tpu.memory_space<semaphore_mem>>)
        %mul3A_501 = arith.constant 8 : i32
        %mul3A_502 = arith.muli %add3A_485, %mul3A_501 : i32
        %add3A_503 = arith.constant 1 : i32
        %add3A_504 = arith.addi %mul3A_502, %add3A_503 : i32
        %dma_start3A_505 = arith.constant 1 : i32
        %dma_start3A_506 = arith.constant 0 : i32
        %dma_start3A_507 = arith.constant 0 : i32
        %dma_start3A_508 = tpu.memref_slice %arg6[%dma_start3A_505, %dma_start3A_506, %dma_start3A_507] : memref<8x50x32xf32, #tpu.memory_space<vmem>> -> memref<1x50x32xf32, #tpu.memory_space<vmem>>
        %dma_start3A_509 = tpu.memref_squeeze %dma_start3A_508 : memref<1x50x32xf32, #tpu.memory_space<vmem>> -> memref<50x32xf32, #tpu.memory_space<vmem>>
        %dma_start3A_510 = arith.constant 0 : i32
        %dma_start3A_511 = tpu.memref_slice %arg5[%add3A_504, %dma_start3A_510] : memref<512x50xi32, #tpu.memory_space<vmem>> -> memref<1x50xi32, #tpu.memory_space<vmem>>
        %dma_start3A_512 = tpu.memref_squeeze %dma_start3A_511 : memref<1x50xi32, #tpu.memory_space<vmem>> -> memref<50xi32, #tpu.memory_space<vmem>>
        %dma_start3A_513 = arith.constant 0 : i32
        %dma_start3A_514 = arith.constant 0 : i32
        %dma_start3A_515 = tpu.memref_slice %arg3[%dma_start3A_513, %dma_start3A_514] : memref<1000000x32xf32, #tpu.memory_space<hbm>> -> memref<1000000x32xf32, #tpu.memory_space<hbm>>
        tpu.enqueue_indirect_dma source(%dma_start3A_515 : memref<1000000x32xf32, #tpu.memory_space<hbm>>) target(%dma_start3A_509 : memref<50x32xf32, #tpu.memory_space<vmem>>) offsets(%dma_start3A_512 : memref<50xi32, #tpu.memory_space<vmem>>) semaphore(%arg8 : memref<!tpu.dma_semaphore, #tpu.memory_space<semaphore_mem>>)
        %mul3A_516 = arith.constant 8 : i32
        %mul3A_517 = arith.muli %add3A_485, %mul3A_516 : i32
        %add3A_518 = arith.constant 2 : i32
        %add3A_519 = arith.addi %mul3A_517, %add3A_518 : i32
        %dma_start3A_520 = arith.constant 2 : i32
        %dma_start3A_521 = arith.constant 0 : i32
        %dma_start3A_522 = arith.constant 0 : i32
        %dma_start3A_523 = tpu.memref_slice %arg6[%dma_start3A_520, %dma_start3A_521, %dma_start3A_522] : memref<8x50x32xf32, #tpu.memory_space<vmem>> -> memref<1x50x32xf32, #tpu.memory_space<vmem>>
        %dma_start3A_524 = tpu.memref_squeeze %dma_start3A_523 : memref<1x50x32xf32, #tpu.memory_space<vmem>> -> memref<50x32xf32, #tpu.memory_space<vmem>>
        %dma_start3A_525 = arith.constant 0 : i32
        %dma_start3A_526 = tpu.memref_slice %arg5[%add3A_519, %dma_start3A_525] : memref<512x50xi32, #tpu.memory_space<vmem>> -> memref<1x50xi32, #tpu.memory_space<vmem>>
        %dma_start3A_527 = tpu.memref_squeeze %dma_start3A_526 : memref<1x50xi32, #tpu.memory_space<vmem>> -> memref<50xi32, #tpu.memory_space<vmem>>
        %dma_start3A_528 = arith.constant 0 : i32
        %dma_start3A_529 = arith.constant 0 : i32
        %dma_start3A_530 = tpu.memref_slice %arg3[%dma_start3A_528, %dma_start3A_529] : memref<1000000x32xf32, #tpu.memory_space<hbm>> -> memref<1000000x32xf32, #tpu.memory_space<hbm>>
        tpu.enqueue_indirect_dma source(%dma_start3A_530 : memref<1000000x32xf32, #tpu.memory_space<hbm>>) target(%dma_start3A_524 : memref<50x32xf32, #tpu.memory_space<vmem>>) offsets(%dma_start3A_527 : memref<50xi32, #tpu.memory_space<vmem>>) semaphore(%arg8 : memref<!tpu.dma_semaphore, #tpu.memory_space<semaphore_mem>>)
        %mul3A_531 = arith.constant 8 : i32
        %mul3A_532 = arith.muli %add3A_485, %mul3A_531 : i32
        %add3A_533 = arith.constant 3 : i32
        %add3A_534 = arith.addi %mul3A_532, %add3A_533 : i32
        %dma_start3A_535 = arith.constant 3 : i32
        %dma_start3A_536 = arith.constant 0 : i32
        %dma_start3A_537 = arith.constant 0 : i32
        %dma_start3A_538 = tpu.memref_slice %arg6[%dma_start3A_535, %dma_start3A_536, %dma_start3A_537] : memref<8x50x32xf32, #tpu.memory_space<vmem>> -> memref<1x50x32xf32, #tpu.memory_space<vmem>>
        %dma_start3A_539 = tpu.memref_squeeze %dma_start3A_538 : memref<1x50x32xf32, #tpu.memory_space<vmem>> -> memref<50x32xf32, #tpu.memory_space<vmem>>
        %dma_start3A_540 = arith.constant 0 : i32
        %dma_start3A_541 = tpu.memref_slice %arg5[%add3A_534, %dma_start3A_540] : memref<512x50xi32, #tpu.memory_space<vmem>> -> memref<1x50xi32, #tpu.memory_space<vmem>>
        %dma_start3A_542 = tpu.memref_squeeze %dma_start3A_541 : memref<1x50xi32, #tpu.memory_space<vmem>> -> memref<50xi32, #tpu.memory_space<vmem>>
        %dma_start3A_543 = arith.constant 0 : i32
        %dma_start3A_544 = arith.constant 0 : i32
        %dma_start3A_545 = tpu.memref_slice %arg3[%dma_start3A_543, %dma_start3A_544] : memref<1000000x32xf32, #tpu.memory_space<hbm>> -> memref<1000000x32xf32, #tpu.memory_space<hbm>>
        tpu.enqueue_indirect_dma source(%dma_start3A_545 : memref<1000000x32xf32, #tpu.memory_space<hbm>>) target(%dma_start3A_539 : memref<50x32xf32, #tpu.memory_space<vmem>>) offsets(%dma_start3A_542 : memref<50xi32, #tpu.memory_space<vmem>>) semaphore(%arg8 : memref<!tpu.dma_semaphore, #tpu.memory_space<semaphore_mem>>)
        %mul3A_546 = arith.constant 8 : i32
        %mul3A_547 = arith.muli %add3A_485, %mul3A_546 : i32
        %add3A_548 = arith.constant 4 : i32
        %add3A_549 = arith.addi %mul3A_547, %add3A_548 : i32
        %dma_start3A_550 = arith.constant 4 : i32
        %dma_start3A_551 = arith.constant 0 : i32
        %dma_start3A_552 = arith.constant 0 : i32
        %dma_start3A_553 = tpu.memref_slice %arg6[%dma_start3A_550, %dma_start3A_551, %dma_start3A_552] : memref<8x50x32xf32, #tpu.memory_space<vmem>> -> memref<1x50x32xf32, #tpu.memory_space<vmem>>
        %dma_start3A_554 = tpu.memref_squeeze %dma_start3A_553 : memref<1x50x32xf32, #tpu.memory_space<vmem>> -> memref<50x32xf32, #tpu.memory_space<vmem>>
        %dma_start3A_555 = arith.constant 0 : i32
        %dma_start3A_556 = tpu.memref_slice %arg5[%add3A_549, %dma_start3A_555] : memref<512x50xi32, #tpu.memory_space<vmem>> -> memref<1x50xi32, #tpu.memory_space<vmem>>
        %dma_start3A_557 = tpu.memref_squeeze %dma_start3A_556 : memref<1x50xi32, #tpu.memory_space<vmem>> -> memref<50xi32, #tpu.memory_space<vmem>>
        %dma_start3A_558 = arith.constant 0 : i32
        %dma_start3A_559 = arith.constant 0 : i32
        %dma_start3A_560 = tpu.memref_slice %arg3[%dma_start3A_558, %dma_start3A_559] : memref<1000000x32xf32, #tpu.memory_space<hbm>> -> memref<1000000x32xf32, #tpu.memory_space<hbm>>
        tpu.enqueue_indirect_dma source(%dma_start3A_560 : memref<1000000x32xf32, #tpu.memory_space<hbm>>) target(%dma_start3A_554 : memref<50x32xf32, #tpu.memory_space<vmem>>) offsets(%dma_start3A_557 : memref<50xi32, #tpu.memory_space<vmem>>) semaphore(%arg8 : memref<!tpu.dma_semaphore, #tpu.memory_space<semaphore_mem>>)
        %mul3A_561 = arith.constant 8 : i32
        %mul3A_562 = arith.muli %add3A_485, %mul3A_561 : i32
        %add3A_563 = arith.constant 5 : i32
        %add3A_564 = arith.addi %mul3A_562, %add3A_563 : i32
        %dma_start3A_565 = arith.constant 5 : i32
        %dma_start3A_566 = arith.constant 0 : i32
        %dma_start3A_567 = arith.constant 0 : i32
        %dma_start3A_568 = tpu.memref_slice %arg6[%dma_start3A_565, %dma_start3A_566, %dma_start3A_567] : memref<8x50x32xf32, #tpu.memory_space<vmem>> -> memref<1x50x32xf32, #tpu.memory_space<vmem>>
        %dma_start3A_569 = tpu.memref_squeeze %dma_start3A_568 : memref<1x50x32xf32, #tpu.memory_space<vmem>> -> memref<50x32xf32, #tpu.memory_space<vmem>>
        %dma_start3A_570 = arith.constant 0 : i32
        %dma_start3A_571 = tpu.memref_slice %arg5[%add3A_564, %dma_start3A_570] : memref<512x50xi32, #tpu.memory_space<vmem>> -> memref<1x50xi32, #tpu.memory_space<vmem>>
        %dma_start3A_572 = tpu.memref_squeeze %dma_start3A_571 : memref<1x50xi32, #tpu.memory_space<vmem>> -> memref<50xi32, #tpu.memory_space<vmem>>
        %dma_start3A_573 = arith.constant 0 : i32
        %dma_start3A_574 = arith.constant 0 : i32
        %dma_start3A_575 = tpu.memref_slice %arg3[%dma_start3A_573, %dma_start3A_574] : memref<1000000x32xf32, #tpu.memory_space<hbm>> -> memref<1000000x32xf32, #tpu.memory_space<hbm>>
        tpu.enqueue_indirect_dma source(%dma_start3A_575 : memref<1000000x32xf32, #tpu.memory_space<hbm>>) target(%dma_start3A_569 : memref<50x32xf32, #tpu.memory_space<vmem>>) offsets(%dma_start3A_572 : memref<50xi32, #tpu.memory_space<vmem>>) semaphore(%arg8 : memref<!tpu.dma_semaphore, #tpu.memory_space<semaphore_mem>>)
        %mul3A_576 = arith.constant 8 : i32
        %mul3A_577 = arith.muli %add3A_485, %mul3A_576 : i32
        %add3A_578 = arith.constant 6 : i32
        %add3A_579 = arith.addi %mul3A_577, %add3A_578 : i32
        %dma_start3A_580 = arith.constant 6 : i32
        %dma_start3A_581 = arith.constant 0 : i32
        %dma_start3A_582 = arith.constant 0 : i32
        %dma_start3A_583 = tpu.memref_slice %arg6[%dma_start3A_580, %dma_start3A_581, %dma_start3A_582] : memref<8x50x32xf32, #tpu.memory_space<vmem>> -> memref<1x50x32xf32, #tpu.memory_space<vmem>>
        %dma_start3A_584 = tpu.memref_squeeze %dma_start3A_583 : memref<1x50x32xf32, #tpu.memory_space<vmem>> -> memref<50x32xf32, #tpu.memory_space<vmem>>
        %dma_start3A_585 = arith.constant 0 : i32
        %dma_start3A_586 = tpu.memref_slice %arg5[%add3A_579, %dma_start3A_585] : memref<512x50xi32, #tpu.memory_space<vmem>> -> memref<1x50xi32, #tpu.memory_space<vmem>>
        %dma_start3A_587 = tpu.memref_squeeze %dma_start3A_586 : memref<1x50xi32, #tpu.memory_space<vmem>> -> memref<50xi32, #tpu.memory_space<vmem>>
        %dma_start3A_588 = arith.constant 0 : i32
        %dma_start3A_589 = arith.constant 0 : i32
        %dma_start3A_590 = tpu.memref_slice %arg3[%dma_start3A_588, %dma_start3A_589] : memref<1000000x32xf32, #tpu.memory_space<hbm>> -> memref<1000000x32xf32, #tpu.memory_space<hbm>>
        tpu.enqueue_indirect_dma source(%dma_start3A_590 : memref<1000000x32xf32, #tpu.memory_space<hbm>>) target(%dma_start3A_584 : memref<50x32xf32, #tpu.memory_space<vmem>>) offsets(%dma_start3A_587 : memref<50xi32, #tpu.memory_space<vmem>>) semaphore(%arg8 : memref<!tpu.dma_semaphore, #tpu.memory_space<semaphore_mem>>)
        %mul3A_591 = arith.constant 8 : i32
        %mul3A_592 = arith.muli %add3A_485, %mul3A_591 : i32
        %add3A_593 = arith.constant 7 : i32
        %add3A_594 = arith.addi %mul3A_592, %add3A_593 : i32
        %dma_start3A_595 = arith.constant 7 : i32
        %dma_start3A_596 = arith.constant 0 : i32
        %dma_start3A_597 = arith.constant 0 : i32
        %dma_start3A_598 = tpu.memref_slice %arg6[%dma_start3A_595, %dma_start3A_596, %dma_start3A_597] : memref<8x50x32xf32, #tpu.memory_space<vmem>> -> memref<1x50x32xf32, #tpu.memory_space<vmem>>
        %dma_start3A_599 = tpu.memref_squeeze %dma_start3A_598 : memref<1x50x32xf32, #tpu.memory_space<vmem>> -> memref<50x32xf32, #tpu.memory_space<vmem>>
        %dma_start3A_600 = arith.constant 0 : i32
        %dma_start3A_601 = tpu.memref_slice %arg5[%add3A_594, %dma_start3A_600] : memref<512x50xi32, #tpu.memory_space<vmem>> -> memref<1x50xi32, #tpu.memory_space<vmem>>
        %dma_start3A_602 = tpu.memref_squeeze %dma_start3A_601 : memref<1x50xi32, #tpu.memory_space<vmem>> -> memref<50xi32, #tpu.memory_space<vmem>>
        %dma_start3A_603 = arith.constant 0 : i32
        %dma_start3A_604 = arith.constant 0 : i32
        %dma_start3A_605 = tpu.memref_slice %arg3[%dma_start3A_603, %dma_start3A_604] : memref<1000000x32xf32, #tpu.memory_space<hbm>> -> memref<1000000x32xf32, #tpu.memory_space<hbm>>
        tpu.enqueue_indirect_dma source(%dma_start3A_605 : memref<1000000x32xf32, #tpu.memory_space<hbm>>) target(%dma_start3A_599 : memref<50x32xf32, #tpu.memory_space<vmem>>) offsets(%dma_start3A_602 : memref<50xi32, #tpu.memory_space<vmem>>) semaphore(%arg8 : memref<!tpu.dma_semaphore, #tpu.memory_space<semaphore_mem>>)
      } else {
      }
      %add3A_357 = arith.constant 1 : i32
      %add3A_358 = arith.addi %mul3A_108, %add3A_357 : i32
      %mul3A_359 = arith.constant 8 : i32
      %mul3A_360 = arith.muli %add3A_358, %mul3A_359 : i32
      %add3A_361 = arith.constant 0 : i32
      %add3A_362 = arith.addi %mul3A_360, %add3A_361 : i32
      %dma_wait3A_363 = arith.constant 0 : i32
      %dma_wait3A_364 = arith.constant 0 : i32
      %dma_wait3A_365 = arith.constant 0 : i32
      %dma_wait3A_366 = tpu.memref_slice %arg7[%dma_wait3A_363, %dma_wait3A_364, %dma_wait3A_365] : memref<8x50x32xf32, #tpu.memory_space<vmem>> -> memref<1x50x32xf32, #tpu.memory_space<vmem>>
      %dma_wait3A_367 = tpu.memref_squeeze %dma_wait3A_366 : memref<1x50x32xf32, #tpu.memory_space<vmem>> -> memref<50x32xf32, #tpu.memory_space<vmem>>
      %dma_wait3A_368 = arith.constant 0 : i32
      %dma_wait3A_369 = tpu.memref_slice %arg5[%add3A_362, %dma_wait3A_368] : memref<512x50xi32, #tpu.memory_space<vmem>> -> memref<1x50xi32, #tpu.memory_space<vmem>>
      %dma_wait3A_370 = tpu.memref_squeeze %dma_wait3A_369 : memref<1x50xi32, #tpu.memory_space<vmem>> -> memref<50xi32, #tpu.memory_space<vmem>>
      %dma_wait3A_371 = arith.constant 0 : i32
      %dma_wait3A_372 = arith.constant 0 : i32
      %dma_wait3A_373 = tpu.memref_slice %arg3[%dma_wait3A_371, %dma_wait3A_372] : memref<1000000x32xf32, #tpu.memory_space<hbm>> -> memref<1000000x32xf32, #tpu.memory_space<hbm>>
      tpu.wait_indirect_dma semaphore(%arg9 : memref<!tpu.dma_semaphore, #tpu.memory_space<semaphore_mem>>) src(%dma_wait3A_373 : memref<1000000x32xf32, #tpu.memory_space<hbm>>) dst(%dma_wait3A_367 : memref<50x32xf32, #tpu.memory_space<vmem>>)
      %mul3A_374 = arith.constant 8 : i32
      %mul3A_375 = arith.muli %add3A_358, %mul3A_374 : i32
      %add3A_376 = arith.constant 1 : i32
      %add3A_377 = arith.addi %mul3A_375, %add3A_376 : i32
      %dma_wait3A_378 = arith.constant 1 : i32
      %dma_wait3A_379 = arith.constant 0 : i32
      %dma_wait3A_380 = arith.constant 0 : i32
      %dma_wait3A_381 = tpu.memref_slice %arg7[%dma_wait3A_378, %dma_wait3A_379, %dma_wait3A_380] : memref<8x50x32xf32, #tpu.memory_space<vmem>> -> memref<1x50x32xf32, #tpu.memory_space<vmem>>
      %dma_wait3A_382 = tpu.memref_squeeze %dma_wait3A_381 : memref<1x50x32xf32, #tpu.memory_space<vmem>> -> memref<50x32xf32, #tpu.memory_space<vmem>>
      %dma_wait3A_383 = arith.constant 0 : i32
      %dma_wait3A_384 = tpu.memref_slice %arg5[%add3A_377, %dma_wait3A_383] : memref<512x50xi32, #tpu.memory_space<vmem>> -> memref<1x50xi32, #tpu.memory_space<vmem>>
      %dma_wait3A_385 = tpu.memref_squeeze %dma_wait3A_384 : memref<1x50xi32, #tpu.memory_space<vmem>> -> memref<50xi32, #tpu.memory_space<vmem>>
      %dma_wait3A_386 = arith.constant 0 : i32
      %dma_wait3A_387 = arith.constant 0 : i32
      %dma_wait3A_388 = tpu.memref_slice %arg3[%dma_wait3A_386, %dma_wait3A_387] : memref<1000000x32xf32, #tpu.memory_space<hbm>> -> memref<1000000x32xf32, #tpu.memory_space<hbm>>
      tpu.wait_indirect_dma semaphore(%arg9 : memref<!tpu.dma_semaphore, #tpu.memory_space<semaphore_mem>>) src(%dma_wait3A_388 : memref<1000000x32xf32, #tpu.memory_space<hbm>>) dst(%dma_wait3A_382 : memref<50x32xf32, #tpu.memory_space<vmem>>)
      %mul3A_389 = arith.constant 8 : i32
      %mul3A_390 = arith.muli %add3A_358, %mul3A_389 : i32
      %add3A_391 = arith.constant 2 : i32
      %add3A_392 = arith.addi %mul3A_390, %add3A_391 : i32
      %dma_wait3A_393 = arith.constant 2 : i32
      %dma_wait3A_394 = arith.constant 0 : i32
      %dma_wait3A_395 = arith.constant 0 : i32
      %dma_wait3A_396 = tpu.memref_slice %arg7[%dma_wait3A_393, %dma_wait3A_394, %dma_wait3A_395] : memref<8x50x32xf32, #tpu.memory_space<vmem>> -> memref<1x50x32xf32, #tpu.memory_space<vmem>>
      %dma_wait3A_397 = tpu.memref_squeeze %dma_wait3A_396 : memref<1x50x32xf32, #tpu.memory_space<vmem>> -> memref<50x32xf32, #tpu.memory_space<vmem>>
      %dma_wait3A_398 = arith.constant 0 : i32
      %dma_wait3A_399 = tpu.memref_slice %arg5[%add3A_392, %dma_wait3A_398] : memref<512x50xi32, #tpu.memory_space<vmem>> -> memref<1x50xi32, #tpu.memory_space<vmem>>
      %dma_wait3A_400 = tpu.memref_squeeze %dma_wait3A_399 : memref<1x50xi32, #tpu.memory_space<vmem>> -> memref<50xi32, #tpu.memory_space<vmem>>
      %dma_wait3A_401 = arith.constant 0 : i32
      %dma_wait3A_402 = arith.constant 0 : i32
      %dma_wait3A_403 = tpu.memref_slice %arg3[%dma_wait3A_401, %dma_wait3A_402] : memref<1000000x32xf32, #tpu.memory_space<hbm>> -> memref<1000000x32xf32, #tpu.memory_space<hbm>>
      tpu.wait_indirect_dma semaphore(%arg9 : memref<!tpu.dma_semaphore, #tpu.memory_space<semaphore_mem>>) src(%dma_wait3A_403 : memref<1000000x32xf32, #tpu.memory_space<hbm>>) dst(%dma_wait3A_397 : memref<50x32xf32, #tpu.memory_space<vmem>>)
      %mul3A_404 = arith.constant 8 : i32
      %mul3A_405 = arith.muli %add3A_358, %mul3A_404 : i32
      %add3A_406 = arith.constant 3 : i32
      %add3A_407 = arith.addi %mul3A_405, %add3A_406 : i32
      %dma_wait3A_408 = arith.constant 3 : i32
      %dma_wait3A_409 = arith.constant 0 : i32
      %dma_wait3A_410 = arith.constant 0 : i32
      %dma_wait3A_411 = tpu.memref_slice %arg7[%dma_wait3A_408, %dma_wait3A_409, %dma_wait3A_410] : memref<8x50x32xf32, #tpu.memory_space<vmem>> -> memref<1x50x32xf32, #tpu.memory_space<vmem>>
      %dma_wait3A_412 = tpu.memref_squeeze %dma_wait3A_411 : memref<1x50x32xf32, #tpu.memory_space<vmem>> -> memref<50x32xf32, #tpu.memory_space<vmem>>
      %dma_wait3A_413 = arith.constant 0 : i32
      %dma_wait3A_414 = tpu.memref_slice %arg5[%add3A_407, %dma_wait3A_413] : memref<512x50xi32, #tpu.memory_space<vmem>> -> memref<1x50xi32, #tpu.memory_space<vmem>>
      %dma_wait3A_415 = tpu.memref_squeeze %dma_wait3A_414 : memref<1x50xi32, #tpu.memory_space<vmem>> -> memref<50xi32, #tpu.memory_space<vmem>>
      %dma_wait3A_416 = arith.constant 0 : i32
      %dma_wait3A_417 = arith.constant 0 : i32
      %dma_wait3A_418 = tpu.memref_slice %arg3[%dma_wait3A_416, %dma_wait3A_417] : memref<1000000x32xf32, #tpu.memory_space<hbm>> -> memref<1000000x32xf32, #tpu.memory_space<hbm>>
      tpu.wait_indirect_dma semaphore(%arg9 : memref<!tpu.dma_semaphore, #tpu.memory_space<semaphore_mem>>) src(%dma_wait3A_418 : memref<1000000x32xf32, #tpu.memory_space<hbm>>) dst(%dma_wait3A_412 : memref<50x32xf32, #tpu.memory_space<vmem>>)
      %mul3A_419 = arith.constant 8 : i32
      %mul3A_420 = arith.muli %add3A_358, %mul3A_419 : i32
      %add3A_421 = arith.constant 4 : i32
      %add3A_422 = arith.addi %mul3A_420, %add3A_421 : i32
      %dma_wait3A_423 = arith.constant 4 : i32
      %dma_wait3A_424 = arith.constant 0 : i32
      %dma_wait3A_425 = arith.constant 0 : i32
      %dma_wait3A_426 = tpu.memref_slice %arg7[%dma_wait3A_423, %dma_wait3A_424, %dma_wait3A_425] : memref<8x50x32xf32, #tpu.memory_space<vmem>> -> memref<1x50x32xf32, #tpu.memory_space<vmem>>
      %dma_wait3A_427 = tpu.memref_squeeze %dma_wait3A_426 : memref<1x50x32xf32, #tpu.memory_space<vmem>> -> memref<50x32xf32, #tpu.memory_space<vmem>>
      %dma_wait3A_428 = arith.constant 0 : i32
      %dma_wait3A_429 = tpu.memref_slice %arg5[%add3A_422, %dma_wait3A_428] : memref<512x50xi32, #tpu.memory_space<vmem>> -> memref<1x50xi32, #tpu.memory_space<vmem>>
      %dma_wait3A_430 = tpu.memref_squeeze %dma_wait3A_429 : memref<1x50xi32, #tpu.memory_space<vmem>> -> memref<50xi32, #tpu.memory_space<vmem>>
      %dma_wait3A_431 = arith.constant 0 : i32
      %dma_wait3A_432 = arith.constant 0 : i32
      %dma_wait3A_433 = tpu.memref_slice %arg3[%dma_wait3A_431, %dma_wait3A_432] : memref<1000000x32xf32, #tpu.memory_space<hbm>> -> memref<1000000x32xf32, #tpu.memory_space<hbm>>
      tpu.wait_indirect_dma semaphore(%arg9 : memref<!tpu.dma_semaphore, #tpu.memory_space<semaphore_mem>>) src(%dma_wait3A_433 : memref<1000000x32xf32, #tpu.memory_space<hbm>>) dst(%dma_wait3A_427 : memref<50x32xf32, #tpu.memory_space<vmem>>)
      %mul3A_434 = arith.constant 8 : i32
      %mul3A_435 = arith.muli %add3A_358, %mul3A_434 : i32
      %add3A_436 = arith.constant 5 : i32
      %add3A_437 = arith.addi %mul3A_435, %add3A_436 : i32
      %dma_wait3A_438 = arith.constant 5 : i32
      %dma_wait3A_439 = arith.constant 0 : i32
      %dma_wait3A_440 = arith.constant 0 : i32
      %dma_wait3A_441 = tpu.memref_slice %arg7[%dma_wait3A_438, %dma_wait3A_439, %dma_wait3A_440] : memref<8x50x32xf32, #tpu.memory_space<vmem>> -> memref<1x50x32xf32, #tpu.memory_space<vmem>>
      %dma_wait3A_442 = tpu.memref_squeeze %dma_wait3A_441 : memref<1x50x32xf32, #tpu.memory_space<vmem>> -> memref<50x32xf32, #tpu.memory_space<vmem>>
      %dma_wait3A_443 = arith.constant 0 : i32
      %dma_wait3A_444 = tpu.memref_slice %arg5[%add3A_437, %dma_wait3A_443] : memref<512x50xi32, #tpu.memory_space<vmem>> -> memref<1x50xi32, #tpu.memory_space<vmem>>
      %dma_wait3A_445 = tpu.memref_squeeze %dma_wait3A_444 : memref<1x50xi32, #tpu.memory_space<vmem>> -> memref<50xi32, #tpu.memory_space<vmem>>
      %dma_wait3A_446 = arith.constant 0 : i32
      %dma_wait3A_447 = arith.constant 0 : i32
      %dma_wait3A_448 = tpu.memref_slice %arg3[%dma_wait3A_446, %dma_wait3A_447] : memref<1000000x32xf32, #tpu.memory_space<hbm>> -> memref<1000000x32xf32, #tpu.memory_space<hbm>>
      tpu.wait_indirect_dma semaphore(%arg9 : memref<!tpu.dma_semaphore, #tpu.memory_space<semaphore_mem>>) src(%dma_wait3A_448 : memref<1000000x32xf32, #tpu.memory_space<hbm>>) dst(%dma_wait3A_442 : memref<50x32xf32, #tpu.memory_space<vmem>>)
      %mul3A_449 = arith.constant 8 : i32
      %mul3A_450 = arith.muli %add3A_358, %mul3A_449 : i32
      %add3A_451 = arith.constant 6 : i32
      %add3A_452 = arith.addi %mul3A_450, %add3A_451 : i32
      %dma_wait3A_453 = arith.constant 6 : i32
      %dma_wait3A_454 = arith.constant 0 : i32
      %dma_wait3A_455 = arith.constant 0 : i32
      %dma_wait3A_456 = tpu.memref_slice %arg7[%dma_wait3A_453, %dma_wait3A_454, %dma_wait3A_455] : memref<8x50x32xf32, #tpu.memory_space<vmem>> -> memref<1x50x32xf32, #tpu.memory_space<vmem>>
      %dma_wait3A_457 = tpu.memref_squeeze %dma_wait3A_456 : memref<1x50x32xf32, #tpu.memory_space<vmem>> -> memref<50x32xf32, #tpu.memory_space<vmem>>
      %dma_wait3A_458 = arith.constant 0 : i32
      %dma_wait3A_459 = tpu.memref_slice %arg5[%add3A_452, %dma_wait3A_458] : memref<512x50xi32, #tpu.memory_space<vmem>> -> memref<1x50xi32, #tpu.memory_space<vmem>>
      %dma_wait3A_460 = tpu.memref_squeeze %dma_wait3A_459 : memref<1x50xi32, #tpu.memory_space<vmem>> -> memref<50xi32, #tpu.memory_space<vmem>>
      %dma_wait3A_461 = arith.constant 0 : i32
      %dma_wait3A_462 = arith.constant 0 : i32
      %dma_wait3A_463 = tpu.memref_slice %arg3[%dma_wait3A_461, %dma_wait3A_462] : memref<1000000x32xf32, #tpu.memory_space<hbm>> -> memref<1000000x32xf32, #tpu.memory_space<hbm>>
      tpu.wait_indirect_dma semaphore(%arg9 : memref<!tpu.dma_semaphore, #tpu.memory_space<semaphore_mem>>) src(%dma_wait3A_463 : memref<1000000x32xf32, #tpu.memory_space<hbm>>) dst(%dma_wait3A_457 : memref<50x32xf32, #tpu.memory_space<vmem>>)
      %mul3A_464 = arith.constant 8 : i32
      %mul3A_465 = arith.muli %add3A_358, %mul3A_464 : i32
      %add3A_466 = arith.constant 7 : i32
      %add3A_467 = arith.addi %mul3A_465, %add3A_466 : i32
      %dma_wait3A_468 = arith.constant 7 : i32
      %dma_wait3A_469 = arith.constant 0 : i32
      %dma_wait3A_470 = arith.constant 0 : i32
      %dma_wait3A_471 = tpu.memref_slice %arg7[%dma_wait3A_468, %dma_wait3A_469, %dma_wait3A_470] : memref<8x50x32xf32, #tpu.memory_space<vmem>> -> memref<1x50x32xf32, #tpu.memory_space<vmem>>
      %dma_wait3A_472 = tpu.memref_squeeze %dma_wait3A_471 : memref<1x50x32xf32, #tpu.memory_space<vmem>> -> memref<50x32xf32, #tpu.memory_space<vmem>>
      %dma_wait3A_473 = arith.constant 0 : i32
      %dma_wait3A_474 = tpu.memref_slice %arg5[%add3A_467, %dma_wait3A_473] : memref<512x50xi32, #tpu.memory_space<vmem>> -> memref<1x50xi32, #tpu.memory_space<vmem>>
      %dma_wait3A_475 = tpu.memref_squeeze %dma_wait3A_474 : memref<1x50xi32, #tpu.memory_space<vmem>> -> memref<50xi32, #tpu.memory_space<vmem>>
      %dma_wait3A_476 = arith.constant 0 : i32
      %dma_wait3A_477 = arith.constant 0 : i32
      %dma_wait3A_478 = tpu.memref_slice %arg3[%dma_wait3A_476, %dma_wait3A_477] : memref<1000000x32xf32, #tpu.memory_space<hbm>> -> memref<1000000x32xf32, #tpu.memory_space<hbm>>
      tpu.wait_indirect_dma semaphore(%arg9 : memref<!tpu.dma_semaphore, #tpu.memory_space<semaphore_mem>>) src(%dma_wait3A_478 : memref<1000000x32xf32, #tpu.memory_space<hbm>>) dst(%dma_wait3A_472 : memref<50x32xf32, #tpu.memory_space<vmem>>)
      %add3A_479 = arith.constant 1 : i32
      %add3A_480 = arith.addi %mul3A_108, %add3A_479 : i32
      %mul3A_481 = arith.constant 8 : i32
      %mul3A_482 = arith.muli %add3A_480, %mul3A_481 : i32
      %add3A_483 = arith.addi %mul3A_2, %mul3A_482 : i32
      "tpu.region"() ({
        %run_scoped3A = tpu.sem_alloc : memref<!tpu.dma_semaphore, #tpu.memory_space<semaphore_mem>>
        %dma_start3A_484 = arith.constant 0 : i32
        %dma_start3A_485 = arith.constant 0 : i32
        %dma_start3A_486 = tpu.memref_slice %arg4[%add3A_483, %dma_start3A_484, %dma_start3A_485] : memref<16384x50x32xf32, #tpu.memory_space<hbm>> -> memref<8x50x32xf32, #tpu.memory_space<hbm>>
        %dma_start3A_487 = arith.constant 0 : i32
        %dma_start3A_488 = arith.constant 0 : i32
        %dma_start3A_489 = tpu.memref_slice %arg4[%add3A_483, %dma_start3A_487, %dma_start3A_488] : memref<16384x50x32xf32, #tpu.memory_space<hbm>> -> memref<8x50x32xf32, #tpu.memory_space<hbm>>
        tpu.enqueue_dma source(%arg7 : memref<8x50x32xf32, #tpu.memory_space<vmem>>) target(%dma_start3A_489 : memref<8x50x32xf32, #tpu.memory_space<hbm>>) target_semaphore(%run_scoped3A : memref<!tpu.dma_semaphore, #tpu.memory_space<semaphore_mem>>)
        %dma_wait3A_490 = arith.constant 0 : i32
        %dma_wait3A_491 = arith.constant 0 : i32
        %dma_wait3A_492 = tpu.memref_slice %arg4[%add3A_483, %dma_wait3A_490, %dma_wait3A_491] : memref<16384x50x32xf32, #tpu.memory_space<hbm>> -> memref<8x50x32xf32, #tpu.memory_space<hbm>>
        %dma_wait3A_493 = arith.constant 0 : i32
        %dma_wait3A_494 = arith.constant 0 : i32
        %dma_wait3A_495 = tpu.memref_slice %arg4[%add3A_483, %dma_wait3A_493, %dma_wait3A_494] : memref<16384x50x32xf32, #tpu.memory_space<hbm>> -> memref<8x50x32xf32, #tpu.memory_space<hbm>>
        tpu.wait_dma2 semaphore(%run_scoped3A : memref<!tpu.dma_semaphore, #tpu.memory_space<semaphore_mem>>) src(%arg7 : memref<8x50x32xf32, #tpu.memory_space<vmem>>) dst(%dma_wait3A_495 : memref<8x50x32xf32, #tpu.memory_space<hbm>>)
        tpu.yield
      }) : () -> ()
    }
    %scan3A_101 = arith.constant 32 : i32
    return
  }
}

</mosaic_0001>

<sc_bundles>
// kernel: kernel.3.cloned.1.call-start
scs
__scs_entry_jumppad:
0x0: {  	(pc) =	sbr.rel $0x88, $3  }
0x1: {  	(tag) =	ssettag $0x0;
	lr =	simm.s32 $0x1  }
0x2: {  	[smem:$0x3F9F] =	sst lr;
	_ =	strace $0xD0000000  }
0x3: {  	_ = 	snop  }
0x4: {  	_ = 	snop  }
0x5: {  	_ = 	snop  }
0x6: {  	_ = 	snop  }
0x7: {  	_ = 	snop  }
__scs_overlays_trampoline_lowered:
0x8: {  	[smem:$0x3FAE] =	sst s0  }
0x9: {  	[smem:$0x3FAF] =	sst s1  }
0xa: {  	[smem:$0x3FB0] =	sst s2  }
0xb: {  	[smem:$0x3FB1] =	sst s3  }
0xc: {  	[smem:$0x3FB2] =	sst s4  }
0xd: {  	[smem:$0x3FB3] =	sst s5  }
0xe: {  	[smem:$0x3FB4] =	sst s6  }
0xf: {  	[smem:$0x3FB5] =	sst s7  }
0x10: {  	[smem:$0x3FB6] =	sst s8  }
0x11: {  	[smem:$0x3FB7] =	sst s9;
	s0 =	simm.s32 @!p0 $0x0  }
0x12: {  	s1 =	sld [smem:$0x3F9D];
	s0 =	simm.s32 @p0 $0x1  }
0x13: {  	[smem:$0x3FB8] =	sst s0;
	s0 =	simm.s32 @!p1 $0x0  }
0x14: {  	s2 =	sld [smem:$0x3F9C];
	s0 =	simm.s32 @p1 $0x1  }
0x15: {  	[smem:$0x3FB9] =	sst s0;
	s0 =	simm.s32 @!p2 $0x0  }
0x16: {  	s3 =	sld [smem:$0x3FDB];
	s0 =	simm.s32 @p2 $0x1  }
0x17: {  	s4 =	simm.s32 $0x1BF5;
	[smem:$0x3FBB] =	sst s0  }
0x18: {  	s0 =	sld [smem:$0x3F9E];
	_ =	swait.ge [sflag:s4], $0x0  }
0x19: {  	s7 =	sld [smem:$0x3F9F]  }
0x1a: {  	s8 =	sadd.s32 $0xFFFFE003, lr  }
0x1b: {  	s9 =	sadd.s32 $0xFFFFFEF7, lr;
	s5 =	simm.s32 $0xFFFFFFFF;
	p2 =	slt.u32 s8, $0xFFFFF086  }
0x1c: {  	p1 =	slt.u32 s9, $0xF7A;
	s5 =	simm.s32 @!p2 $0x0  }
0x1d: {  	s5 =	simm.s32 @p1 $0x1;
	p0 =	seq.s32 s7, s2  }
0x1e: {  	s7 =	smul.u32 @!p0 $0xF7A, s2;
	p2 =	seq.s32 @!p0 s5, $0x0  }
0x1f: {  	s9 =	smul.u32 $0xF7A, s1;
	s8 =	simm.s32 @!p0 $0x1BF5;
	p2 =	por !p2, p0  }
0x20: {  	[sflag:s8] =	ssyncset.s32 @!p0 $0xFFFFF086;
	s6 =	sadd.s32 @!p0 s3, s7;
	s7 =	simm.s32 @!p0 $0x108  }
0x21: {  	s3 =	sadd.s32 s3, s9;
	s6 =	sadd.s32 @!p0 $0x88, s6;
	s7 =	simm.s32 @p2 $0x1082  }
0x22: {  	[simem:s7], [sflag:s8] =	dma.local @!p0 [hbm:s6], $0xF7A  }
0x23: {  	s9 =	sor.u32 $0xD0000000, s2;
	s6 =	simm.s32 $0x108;
	_ =	swait.ge @!p0 [sflag:s8], $0x0  }
0x24: {  	s3 =	sadd.s32 $0x88, s3;
	s6 =	simm.s32 @!p1 $0x1082;
	[sflag:s4] =	ssyncset.s32 $0xFFFFF086  }
0x25: {  	[simem:s6], [sflag:s4] =	dma.local [hbm:s3], $0xF7A  }
0x26: {  	[smem:$0x3F9F] =	sst s1;
	(tag) =	ssettag s2;
	_ =	strace s9  }
0x27: {  	s1 =	sld [smem:$0x3FAF]  }
0x28: {  	s2 =	sld [smem:$0x3FB0]  }
0x29: {  	s4 =	sld [smem:$0x3FB2]  }
0x2a: {  	p0 =	seq.s32 s5, $0x0;
	s5 =	sld [smem:$0x3FB3]  }
0x2b: {  	s6 =	sld [smem:$0x3FB4]  }
0x2c: {  	s7 =	sld [smem:$0x3FB5]  }
0x2d: {  	s3 =	simm.s32 $0x108;
	s8 =	sld [smem:$0x3FB6]  }
0x2e: {  	s3 =	simm.s32 @!p0 $0x1082;
	s9 =	sld [smem:$0x3FB7]  }
0x2f: {  	lr =	sadd.s32 s0, s3;
	s0 =	sld [smem:$0x3FAE]  }
0x30: {  	s3 =	sld [smem:$0x3FB1]  }
0x31: {  	[smem:$0x3FBA] =	sst s10  }
0x32: {  	s10 =	sld [smem:$0x3FB8];
	_ =	sdelay $0x3  }
0x33: {  	p0 =	seq.s32 s10, $0x1;
	s10 =	sld [smem:$0x3FBA];
	_ =	sdelay $0x3  }
0x34: {  	[smem:$0x3FBA] =	sst s10  }
0x35: {  	s10 =	sld [smem:$0x3FB9];
	_ =	sdelay $0x3  }
0x36: {  	p1 =	seq.s32 s10, $0x1;
	s10 =	sld [smem:$0x3FBA];
	_ =	sdelay $0x3  }
0x37: {  	[smem:$0x3FBA] =	sst s10  }
0x38: {  	s10 =	sld [smem:$0x3FBB]  }
0x39: {  	_ = 	snop;
	(pc) =	sbr.ind lr, $3  }
0x3a: {  	_ = 	snop  }
0x3b: {  	_ = 	snop  }
0x3c: {  	p2 =	seq.s32 s10, $0x1;
	s10 =	sld [smem:$0x3FBA]  }
0x3d: {  	_ =	shalt  }
0x3e: {  	_ =	shalt  }
0x3f: {  	_ =	shalt  }
0x40: {  	_ =	shalt  }
0x41: {  	_ =	shalt  }
0x42: {  	_ =	shalt  }
0x43: {  	_ =	shalt  }
0x44: {  	_ =	shalt  }
0x45: {  	_ =	shalt  }
0x46: {  	_ =	shalt  }
0x47: {  	_ =	shalt  }
0x48: {  	_ =	shalt  }
0x49: {  	_ =	shalt  }
0x4a: {  	_ =	shalt  }
0x4b: {  	_ =	shalt  }
0x4c: {  	_ =	shalt  }
0x4d: {  	_ =	shalt  }
0x4e: {  	_ =	shalt  }
0x4f: {  	_ =	shalt  }
0x50: {  	_ =	shalt  }
0x51: {  	_ =	shalt  }
0x52: {  	_ =	shalt  }
0x53: {  	_ =	shalt  }
0x54: {  	_ =	shalt  }
0x55: {  	_ =	shalt  }
0x56: {  	_ =	shalt  }
0x57: {  	_ =	shalt  }
0x58: {  	_ =	shalt  }
0x59: {  	_ =	shalt  }
0x5a: {  	_ =	shalt  }
0x5b: {  	_ =	shalt  }
0x5c: {  	_ =	shalt  }
0x5d: {  	_ =	shalt  }
0x5e: {  	_ =	shalt  }
0x5f: {  	_ =	shalt  }
0x60: {  	_ =	shalt  }
0x61: {  	_ =	shalt  }
0x62: {  	_ =	shalt  }
0x63: {  	_ =	shalt  }
0x64: {  	_ =	shalt  }
0x65: {  	_ =	shalt  }
0x66: {  	_ =	shalt  }
0x67: {  	_ =	shalt  }
0x68: {  	_ =	shalt  }
0x69: {  	_ =	shalt  }
0x6a: {  	_ =	shalt  }
0x6b: {  	_ =	shalt  }
0x6c: {  	_ =	shalt  }
0x6d: {  	_ =	shalt  }
0x6e: {  	_ =	shalt  }
0x6f: {  	_ =	shalt  }
0x70: {  	_ =	shalt  }
0x71: {  	_ =	shalt  }
0x72: {  	_ =	shalt  }
0x73: {  	_ =	shalt  }
0x74: {  	_ =	shalt  }
0x75: {  	_ =	shalt  }
0x76: {  	_ =	shalt  }
0x77: {  	_ =	shalt  }
0x78: {  	_ =	shalt  }
0x79: {  	_ =	shalt  }
0x7a: {  	_ =	shalt  }
0x7b: {  	_ =	shalt  }
0x7c: {  	_ =	shalt  }
0x7d: {  	_ =	shalt  }
0x7e: {  	_ =	shalt  }
0x7f: {  	_ =	shalt  }
0x80: {  	_ =	shalt  }
0x81: {  	_ =	shalt  }
0x82: {  	_ =	shalt  }
0x83: {  	_ =	shalt  }
0x84: {  	_ =	shalt  }
0x85: {  	_ =	shalt  }
0x86: {  	_ =	shalt  }
0x87: {  	_ =	shalt  }
.Lfunc_end0:
.L_simem_size_0:
called_computation.1_lowered:
.L_overlay_start_0:
0x88: {  	s2 =	sld [smem:$0x3FD9]  }
0x89: {  	s3 =	sld [smem:$0x3FFE];
	_ =	sdelay $0x1  }
0x8a: {  	s1 =	srdreg.scid  }
0x8b: {  	s0 =	sand.u32 $0x1, s1  }
0x8c: {  	s17 =	sshll.u32 s0, $0xA;
	s2 =	sadd.s32 s3, s2  }
0x8d: {  	s2 =	sadd.s32 s2, s17  }
0x8e: {  	[smem:$0x3FC6] =	sst s2  }
0x8f: {  	_ = 	snop  }
0x90: {  	s2 =	sld [smem:$0x3FD0];
	(tm) =	ssettm $0x1  }
0x91: {  	s18 =	sld [smem:$0x3FFB];
	_ =	sdelay $0x3  }
0x92: {  	_ =	strace s18  }
0x93: {  	s3 =	sld [smem:$0x3FFC];
	_ =	sdelay $0x3  }
0x94: {  	_ =	strace s3  }
0x95: {  	s3 =	sld [smem:$0x3FFD];
	_ =	sdelay $0x3  }
0x96: {  	_ =	strace s3  }
0x97: {  	_ =	strace $0x8FFFFFFF  }
0x98: {  	s19 =	sld [smem:$0x3FDB];
	_ =	sdelay $0x1  }
0x99: {  	s4 =	simm.s32 $_scs_section_size  }
0x9a: {  	s5 =	simm.s32 $_size__tile_overlayer_lowered;
	s6 =	simm.s32 $_tile_overlayer_lowered  }
0x9b: {  	s22 =	simm.s32 $0x1BFF;
	s21 =	sshll.u32 s6, $0x1;
	s3 =	sadd.s32 s4, s19  }
0x9c: {  	s7 =	simm.s32 $0x0;
	s20 =	sshll.u32 s5, $0x1;
	s5 =	sadd.s32 s21, s3  }
0x9d: {  	[timem:s7], [sflag:s22] =	dma.local [hbm:s5], s20  }
0x9e: {  	_ =	swait.ge [sflag:s22], s20  }
0x9f: {  	s4 =	ssub.s32 $0x0, s20;
	[sflag:s22] =	ssyncset.done $0x0  }
0xa0: {  	[sflag:s22] =	ssyncadd.s32 s4;
	_ =	sdelay $0x1  }
0xa1: {  	s23 =	simm.s32 $0x1B8B  }
0xa2: {  	_ =	swait.ge [sflag:s23], $0x1  }
0xa3: {  	[sflag:s23] =	ssyncset.done $0x0  }
0xa4: {  	s25 =	simm.s32 $0x1B8E;
	s24 =	sld [smem:$0x3FFE];
	[sflag:s23] =	ssyncadd.s32 $0xFFFFFFFF  }
0xa5: {  	s26 =	simm.s32 $execute0_lowered;
	[smem:$0x3FD2] =	sst s25  }
0xa6: {  	s5 =	sshll.u32 s26, $0x1;
	_ =	strace $0x80000046;
	[dreg:$0x1] =	wrdreg $0xFFFFFFFF  }
0xa7: {  	s28 =	simm.s32 $_size_execute0_lowered;
	s3 =	sadd.s32 s3, s5;
	[dreg:$0x0] =	wrdreg $0x0  }
0xa8: {  	s5 =	sshll.u32 s28, $0x1;
	[dreg:$0x2] =	wrdreg s3  }
0xa9: {  	[dreg:$0x3] =	wrdreg s5  }
0xaa: {  	[dreg:$0x4] =	wrdreg $0xC0  }
0xab: {  	_ =	task [dreg:s7], $0x5FFFF  }
0xac: {  	[dreg:$0x1] =	wrdreg $0xFFFFFFFF  }
0xad: {  	[dreg:$0x0] =	wrdreg $0x60  }
0xae: {  	[dreg:$0x2] =	wrdreg s24  }
0xaf: {  	[dreg:$0x3] =	wrdreg s2  }
0xb0: {  	[dreg:$0x4] =	wrdreg $0x9  }
0xb1: {  	_ =	task.clear_ibuf [dreg:s7], $0x5FFFF;
	_ =	strace $0x90000046  }
0xb2: {  	s29 =	simm.s32 $0x9;
	_ =	strace $0x80000048  }
0xb3: {  	_ =	swait.ge [sflag:s29], $0x1  }
0xb4: {  	[sflag:s29] =	ssyncadd.s32 $0xFFFFFFFF  }
0xb5: {  	_ =	strace $0x90000048  }
0xb6: {  	_ =	sfence  }
0xb7: {  	s30 =	sld [smem:$0x0];
	_ =	sdelay $0x2  }
0xb8: {  	s31 =	sshll.u32 s1, $0xD;
	s1 =	sshrl.u32 s1, $0x2  }
0xb9: {  	s3 =	sand.u32 $0x4000, s31;
	s1 =	sadd.s32 s1, s30  }
0xba: {  	s0 =	sor.u32 s3, s0;
	s1 =	sshll.u32 s1, $0x11  }
0xbb: {  	s0 =	sor.u32 s1, s0  }
0xbc: {  	s0 =	sadd.s32 $0x8F2B, s0  }
0xbd: {  	[sflag:s0] =	ssyncadd.remote.s32 $0x1  }
0xbe: {  	_ =	sfence.sel $0xFFFF  }
0xbf: {  	[dreg:$0x0] =	wrdreg $0xFFFFFFFF;
	(pc) =	sbr.abs _section_cstart, $3  }
0xc0: {  	[dreg:$0x1] =	wrdreg $0xFFFFFFFF  }
0xc1: {  	_ =	task.clear_ibuf [dreg:s7], $0x2FFFF;
	_ =	strace $0x9FFFFFFF  }
0xc2: {  	(tm) =	ssettm $0x7FFFFFFF  }
0xc3: {  	_ =	shalt  }
tec
execute0_lowered:
.L_overlay_start_1:
0x0: {  	(tag) =	ssettag $0x1  }
0x1: {  	s0 =	srdreg.scid;
	s1 =	rddreg [dreg:$0x0]  }
0x2: {  	s8 =	stileid.u32;
	s6 =	rddreg [dreg:$0x1]  }
0x3: {  	s2 =	simm.s32 $0x0;
	s9 =	simm.s32 $0x7000;
	s16 =	simm.s32 $0xE0  }
0x4: {  	s23 =	simm.s32 $0xA840;
	s17 =	simm.s32 $0x8900;
	s24 =	simm.s32 $0xAE80  }
0x5: {  	s18 =	simm.s32 $0x118;
	s25 =	simm.s32 $0xB4C0;
	s19 =	simm.s32 $0x8F40  }
0x6: {  	s26 =	simm.s32 $0xBB00;
	s29 =	simm.s32 $0xC140;
	[smem:$0x7FF] =	sst s2  }
0x7: {  	s30 =	simm.s32 $0xC780;
	_ =	strace $0x80000047;
	[dreg:$0x3] =	wrdreg s23  }
0x8: {  	s31 =	simm.s32 $0xCDC0;
	s28 =	simm.s32 $0x0;
	[dreg:$0x4] =	wrdreg s24  }
0x9: {  	s0 =	sand.u32 $0x1, s0;
	s3 =	sshll.u32 s8, $0xA;
	[dreg:$0x5] =	wrdreg s25  }
0xa: {  	s8 =	smul.u32 $0x32000, s8;
	s4 =	sshll.u32 s0, $0x9;
	[dreg:$0x6] =	wrdreg s26  }
0xb: {  	s20 =	ssub.s32 $0x2, s0;
	s0 =	smul.u32 $0x19000, s0;
	[dreg:$0x7] =	wrdreg s29  }
0xc: {  	[dreg:$0x8] =	wrdreg s30;
	s23 =	simm.s32 $0x9BC0;
	s24 =	simm.s32 $0xA200  }
0xd: {  	[dreg:$0x9] =	wrdreg s31;
	s25 =	simm.s32 $0x1;
	s26 =	simm.s32 $0x2  }
0xe: {  	s3 =	sor.u32 s4, s3;
	s7 =	sshrl.u32 s20, $0x1;
	s22 =	sadd.s32 s8, s6  }
0xf: {  	s8 =	simm.s32 $0x32;
	s3 =	smul.u32 $0x7, s3;
	s21 =	ssub.s32 s20, s7  }
0x10: {  	s6 =	sadd.s32 s0, s22;
	s7 =	simm.s32 $0x3;
	s20 =	simm.s32 $0x150  }
0x11: {  	s22 =	simm.s32 $0x188;
	s5 =	sadd.s32 s3, s1;
	s3 =	sadd.s32 $0xF42E00, s1  }
0x12: {  	s4 =	sadd.s32 $0xA00, s5;
	s5 =	smax.u32 s21, $0x1;
	s21 =	simm.s32 $0x9580  }
.LBB2_1:
0x13: {  	[tilespmem:s2], [sflag:$0x3] =	stream.linear.gather [hbm4b:s4+s2], $0x7000, $0x38;
	[tilespmem:$0xD400] =	vst v63  }
0x14: {  	_ =	swait.ge [sflag:s7], $0x7000  }
0x15: {  	[sflag:s7] =	ssyncset.done $0x0  }
0x16: {  	[sflag:s7] =	ssyncadd.s32 $0xFFFF9000  }
0x17: {  	[tilespmem:s9], [sflag:$0x1] =	stream.indirect.gather [hbm4b:s3+s8], $0x20, s2, s8, $0xb8;
	[tilespmem:$0xD400] =	vst v63  }
0x18: {  	s0 =	simm.s32 $0x38;
	s1 =	simm.s32 $0x7640  }
0x19: {  	[tilespmem:s1], [sflag:$0x1] =	stream.indirect.gather [hbm4b:s3+s8], $0x20, s0, s8, $0xb8;
	[tilespmem:$0xD400] =	vst v63  }
0x1a: {  	s10 =	simm.s32 $0x7C80;
	s1 =	simm.s32 $0x70  }
0x1b: {  	[tilespmem:s10], [sflag:$0x1] =	stream.indirect.gather [hbm4b:s3+s8], $0x20, s1, s8, $0xb8;
	[tilespmem:$0xD400] =	vst v63  }
0x1c: {  	s11 =	simm.s32 $0xA8;
	s12 =	simm.s32 $0x82C0  }
0x1d: {  	[tilespmem:s12], [sflag:$0x1] =	stream.indirect.gather [hbm4b:s3+s8], $0x20, s11, s8, $0xb8;
	[tilespmem:$0xD400] =	vst v63  }
0x1e: {  	_ = 	snop  }
0x1f: {  	[tilespmem:s17], [sflag:$0x1] =	stream.indirect.gather [hbm4b:s3+s8], $0x20, s16, s8, $0xb8;
	[tilespmem:$0xD400] =	vst v63  }
0x20: {  	_ = 	snop  }
0x21: {  	[tilespmem:s19], [sflag:$0x1] =	stream.indirect.gather [hbm4b:s3+s8], $0x20, s18, s8, $0xb8;
	[tilespmem:$0xD400] =	vst v63  }
0x22: {  	_ = 	snop  }
0x23: {  	[tilespmem:s21], [sflag:$0x1] =	stream.indirect.gather [hbm4b:s3+s8], $0x20, s20, s8, $0xb8;
	[tilespmem:$0xD400] =	vst v63  }
0x24: {  	_ = 	snop  }
0x25: {  	[tilespmem:s23], [sflag:$0x1] =	stream.indirect.gather [hbm4b:s3+s8], $0x20, s22, s8, $0xb8;
	[tilespmem:$0xD400] =	vst v63  }
0x26: {  	s14 =	simm.s32 $0x1C0  }
0x27: {  	[tilespmem:s24], [sflag:$0x2] =	stream.indirect.gather [hbm4b:s3+s8], $0x20, s14, s8, $0xb8;
	[tilespmem:$0xD400] =	vst v63  }
0x28: {  	s15 =	simm.s32 $0x1F8;
	s13 =	rddreg [dreg:$0x3]  }
0x29: {  	[tilespmem:s13], [sflag:$0x2] =	stream.indirect.gather [hbm4b:s3+s8], $0x20, s15, s8, $0xb8;
	[tilespmem:$0xD400] =	vst v63  }
0x2a: {  	s10 =	rddreg [dreg:$0x4];
	s1 =	simm.s32 $0x230  }
0x2b: {  	[tilespmem:s10], [sflag:$0x2] =	stream.indirect.gather [hbm4b:s3+s8], $0x20, s1, s8, $0xb8;
	[tilespmem:$0xD400] =	vst v63  }
0x2c: {  	s11 =	rddreg [dreg:$0x5];
	s12 =	simm.s32 $0x268  }
0x2d: {  	[tilespmem:s11], [sflag:$0x2] =	stream.indirect.gather [hbm4b:s3+s8], $0x20, s12, s8, $0xb8;
	[tilespmem:$0xD400] =	vst v63  }
0x2e: {  	s14 =	simm.s32 $0x2A0;
	s13 =	rddreg [dreg:$0x6]  }
0x2f: {  	[tilespmem:s13], [sflag:$0x2] =	stream.indirect.gather [hbm4b:s3+s8], $0x20, s14, s8, $0xb8;
	[tilespmem:$0xD400] =	vst v63  }
0x30: {  	s15 =	rddreg [dreg:$0x7];
	s10 =	simm.s32 $0x2D8  }
0x31: {  	[tilespmem:s15], [sflag:$0x2] =	stream.indirect.gather [hbm4b:s3+s8], $0x20, s10, s8, $0xb8;
	[tilespmem:$0xD400] =	vst v63  }
0x32: {  	s11 =	rddreg [dreg:$0x8];
	s12 =	simm.s32 $0x310  }
0x33: {  	[tilespmem:s11], [sflag:$0x2] =	stream.indirect.gather [hbm4b:s3+s8], $0x20, s12, s8, $0xb8;
	[tilespmem:$0xD400] =	vst v63  }
0x34: {  	s13 =	rddreg [dreg:$0x9];
	s14 =	simm.s32 $0x348  }
0x35: {  	[tilespmem:s13], [sflag:$0x2] =	stream.indirect.gather [hbm4b:s3+s8], $0x20, s14, s8, $0xb8;
	[tilespmem:$0xD400] =	vst v63  }
0x36: {  	_ =	swait.ge [sflag:s25], $0x640  }
0x37: {  	[sflag:s25] =	ssyncset.done $0x0  }
0x38: {  	[sflag:s25] =	ssyncadd.s32 $0xFFFFF9C0  }
0x39: {  	_ =	swait.ge [sflag:s25], $0x640  }
0x3a: {  	[sflag:s25] =	ssyncset.done $0x0  }
0x3b: {  	[sflag:s25] =	ssyncadd.s32 $0xFFFFF9C0  }
0x3c: {  	_ =	swait.ge [sflag:s25], $0x640  }
0x3d: {  	[sflag:s25] =	ssyncset.done $0x0  }
0x3e: {  	[sflag:s25] =	ssyncadd.s32 $0xFFFFF9C0  }
0x3f: {  	_ =	swait.ge [sflag:s25], $0x640  }
0x40: {  	[sflag:s25] =	ssyncset.done $0x0  }
0x41: {  	[sflag:s25] =	ssyncadd.s32 $0xFFFFF9C0  }
0x42: {  	_ =	swait.ge [sflag:s25], $0x640  }
0x43: {  	[sflag:s25] =	ssyncset.done $0x0  }
0x44: {  	[sflag:s25] =	ssyncadd.s32 $0xFFFFF9C0  }
0x45: {  	_ =	swait.ge [sflag:s25], $0x640  }
0x46: {  	[sflag:s25] =	ssyncset.done $0x0  }
0x47: {  	[sflag:s25] =	ssyncadd.s32 $0xFFFFF9C0  }
0x48: {  	_ =	swait.ge [sflag:s25], $0x640  }
0x49: {  	[sflag:s25] =	ssyncset.done $0x0  }
0x4a: {  	[sflag:s25] =	ssyncadd.s32 $0xFFFFF9C0  }
0x4b: {  	_ =	swait.ge [sflag:s25], $0x640  }
0x4c: {  	[sflag:s25] =	ssyncset.done $0x0  }
0x4d: {  	[sflag:s25] =	ssyncadd.s32 $0xFFFFF9C0  }
0x4e: {  	[hbm4b:s6+s2] =	stream.linear.scatter [tilespmem:s9], [sflag:$0x3], $0x3200, $0x38;
	[tilespmem:$0xD400] =	vst v63  }
0x4f: {  	p0 =	por $0x0, $0x0;
	_ =	swait.ge [sflag:s7], $0x3200  }
0x50: {  	s0 =	simm.s32 @!p0 $0x7000;
	[sflag:s7] =	ssyncset.done $0x0  }
0x51: {  	s1 =	simm.s32 @!p0 $0x380;
	s10 =	simm.s32 @!p0 $0x32;
	[sflag:s7] =	ssyncadd.s32 $0xFFFFCE00  }
0x52: {  	[tilespmem:s0], [sflag:$0x1] =	stream.indirect.gather @!p0 [hbm4b:s3+s10], $0x20, s1, s10, $0xb8;
	[tilespmem:$0xD400] =	vst v63  }
0x53: {  	s0 =	simm.s32 @!p0 $0x3B8;
	s1 =	simm.s32 @!p0 $0x7640  }
0x54: {  	[tilespmem:s1], [sflag:$0x1] =	stream.indirect.gather @!p0 [hbm4b:s3+s10], $0x20, s0, s10, $0xb8;
	[tilespmem:$0xD400] =	vst v63  }
0x55: {  	s0 =	simm.s32 @!p0 $0x3F0;
	s1 =	simm.s32 @!p0 $0x7C80  }
0x56: {  	[tilespmem:s1], [sflag:$0x1] =	stream.indirect.gather @!p0 [hbm4b:s3+s10], $0x20, s0, s10, $0xb8;
	[tilespmem:$0xD400] =	vst v63  }
0x57: {  	s0 =	simm.s32 @!p0 $0x428;
	s1 =	simm.s32 @!p0 $0x82C0  }
0x58: {  	[tilespmem:s1], [sflag:$0x1] =	stream.indirect.gather @!p0 [hbm4b:s3+s10], $0x20, s0, s10, $0xb8;
	[tilespmem:$0xD400] =	vst v63  }
0x59: {  	s0 =	simm.s32 @!p0 $0x460;
	s1 =	simm.s32 @!p0 $0x8900  }
0x5a: {  	[tilespmem:s1], [sflag:$0x1] =	stream.indirect.gather @!p0 [hbm4b:s3+s10], $0x20, s0, s10, $0xb8;
	[tilespmem:$0xD400] =	vst v63  }
0x5b: {  	s0 =	simm.s32 @!p0 $0x498;
	s1 =	simm.s32 @!p0 $0x8F40  }
0x5c: {  	[tilespmem:s1], [sflag:$0x1] =	stream.indirect.gather @!p0 [hbm4b:s3+s10], $0x20, s0, s10, $0xb8;
	[tilespmem:$0xD400] =	vst v63  }
0x5d: {  	s0 =	simm.s32 @!p0 $0x4D0;
	s1 =	simm.s32 @!p0 $0x9580  }
0x5e: {  	[tilespmem:s1], [sflag:$0x1] =	stream.indirect.gather @!p0 [hbm4b:s3+s10], $0x20, s0, s10, $0xb8;
	[tilespmem:$0xD400] =	vst v63  }
0x5f: {  	s0 =	simm.s32 @!p0 $0x508;
	s1 =	simm.s32 @!p0 $0x9BC0  }
0x60: {  	[tilespmem:s1], [sflag:$0x1] =	stream.indirect.gather @!p0 [hbm4b:s3+s10], $0x20, s0, s10, $0xb8;
	[tilespmem:$0xD400] =	vst v63  }
0x61: {  	_ =	swait.ge [sflag:s26], $0x640  }
0x62: {  	[sflag:s26] =	ssyncset.done $0x0  }
0x63: {  	[sflag:s26] =	ssyncadd.s32 $0xFFFFF9C0  }
0x64: {  	_ =	swait.ge [sflag:s26], $0x640  }
0x65: {  	[sflag:s26] =	ssyncset.done $0x0  }
0x66: {  	[sflag:s26] =	ssyncadd.s32 $0xFFFFF9C0  }
0x67: {  	_ =	swait.ge [sflag:s26], $0x640  }
0x68: {  	[sflag:s26] =	ssyncset.done $0x0  }
0x69: {  	[sflag:s26] =	ssyncadd.s32 $0xFFFFF9C0  }
0x6a: {  	_ =	swait.ge [sflag:s26], $0x640  }
0x6b: {  	[sflag:s26] =	ssyncset.done $0x0  }
0x6c: {  	[sflag:s26] =	ssyncadd.s32 $0xFFFFF9C0  }
0x6d: {  	_ =	swait.ge [sflag:s26], $0x640  }
0x6e: {  	[sflag:s26] =	ssyncset.done $0x0  }
0x6f: {  	[sflag:s26] =	ssyncadd.s32 $0xFFFFF9C0  }
0x70: {  	_ =	swait.ge [sflag:s26], $0x640  }
0x71: {  	[sflag:s26] =	ssyncset.done $0x0  }
0x72: {  	[sflag:s26] =	ssyncadd.s32 $0xFFFFF9C0  }
0x73: {  	_ =	swait.ge [sflag:s26], $0x640  }
0x74: {  	[sflag:s26] =	ssyncset.done $0x0  }
0x75: {  	[sflag:s26] =	ssyncadd.s32 $0xFFFFF9C0  }
0x76: {  	_ =	swait.ge [sflag:s26], $0x640  }
0x77: {  	[sflag:s26] =	ssyncset.done $0x0  }
0x78: {  	s30 =	simm.s32 $0xE00;
	s15 =	sadd.s32 $0x640, s6;
	[sflag:s26] =	ssyncadd.s32 $0xFFFFF9C0  }
0x79: {  	[hbm4b:s15+s2] =	stream.linear.scatter [tilespmem:s24], [sflag:$0x3], $0x3200, $0x38;
	[tilespmem:$0xD400] =	vst v63  }
0x7a: {  	s31 =	simm.s32 $0x1C00;
	s29 =	sadd.s32 $0xC80, s6;
	_ =	swait.ge [sflag:s7], $0x3200  }
0x7b: {  	s0 =	simm.s32 $0x380;
	s10 =	rddreg [dreg:$0x3];
	[sflag:s7] =	ssyncset.done $0x0  }
.LBB2_2:
0x7c: {  	s11 =	sadd.s32 $0x1C0, s0;
	[sflag:s7] =	ssyncadd.s32 $0xFFFFCE00  }
0x7d: {  	[tilespmem:s24], [sflag:$0x2] =	stream.indirect.gather [hbm4b:s3+s8], $0x20, s11, s8, $0xb8;
	[tilespmem:$0xD400] =	vst v63  }
0x7e: {  	s15 =	sadd.s32 $0x1F8, s0  }
0x7f: {  	[tilespmem:s10], [sflag:$0x2] =	stream.indirect.gather [hbm4b:s3+s8], $0x20, s15, s8, $0xb8;
	[tilespmem:$0xD400] =	vst v63  }
0x80: {  	s12 =	rddreg [dreg:$0x4];
	s11 =	sadd.s32 $0x230, s0  }
0x81: {  	[tilespmem:s12], [sflag:$0x2] =	stream.indirect.gather [hbm4b:s3+s8], $0x20, s11, s8, $0xb8;
	[tilespmem:$0xD400] =	vst v63  }
0x82: {  	s13 =	rddreg [dreg:$0x5];
	s14 =	sadd.s32 $0x268, s0  }
0x83: {  	[tilespmem:s13], [sflag:$0x2] =	stream.indirect.gather [hbm4b:s3+s8], $0x20, s14, s8, $0xb8;
	[tilespmem:$0xD400] =	vst v63  }
0x84: {  	s15 =	rddreg [dreg:$0x6];
	s11 =	sadd.s32 $0x2A0, s0  }
0x85: {  	[tilespmem:s15], [sflag:$0x2] =	stream.indirect.gather [hbm4b:s3+s8], $0x20, s11, s8, $0xb8;
	[tilespmem:$0xD400] =	vst v63  }
0x86: {  	s13 =	rddreg [dreg:$0x7];
	s14 =	sadd.s32 $0x2D8, s0  }
0x87: {  	[tilespmem:s13], [sflag:$0x2] =	stream.indirect.gather [hbm4b:s3+s8], $0x20, s14, s8, $0xb8;
	[tilespmem:$0xD400] =	vst v63  }
0x88: {  	s15 =	rddreg [dreg:$0x8];
	s11 =	sadd.s32 $0x310, s0  }
0x89: {  	[tilespmem:s15], [sflag:$0x2] =	stream.indirect.gather [hbm4b:s3+s8], $0x20, s11, s8, $0xb8;
	[tilespmem:$0xD400] =	vst v63  }
0x8a: {  	s13 =	rddreg [dreg:$0x9];
	s14 =	sadd.s32 $0x348, s0  }
0x8b: {  	[tilespmem:s13], [sflag:$0x2] =	stream.indirect.gather [hbm4b:s3+s8], $0x20, s14, s8, $0xb8;
	[tilespmem:$0xD400] =	vst v63  }
0x8c: {  	_ =	swait.ge [sflag:s25], $0x640  }
0x8d: {  	[sflag:s25] =	ssyncset.done $0x0  }
0x8e: {  	[sflag:s25] =	ssyncadd.s32 $0xFFFFF9C0  }
0x8f: {  	_ =	swait.ge [sflag:s25], $0x640  }
0x90: {  	[sflag:s25] =	ssyncset.done $0x0  }
0x91: {  	[sflag:s25] =	ssyncadd.s32 $0xFFFFF9C0  }
0x92: {  	_ =	swait.ge [sflag:s25], $0x640  }
0x93: {  	[sflag:s25] =	ssyncset.done $0x0  }
0x94: {  	[sflag:s25] =	ssyncadd.s32 $0xFFFFF9C0  }
0x95: {  	_ =	swait.ge [sflag:s25], $0x640  }
0x96: {  	[sflag:s25] =	ssyncset.done $0x0  }
0x97: {  	[sflag:s25] =	ssyncadd.s32 $0xFFFFF9C0  }
0x98: {  	_ =	swait.ge [sflag:s25], $0x640  }
0x99: {  	[sflag:s25] =	ssyncset.done $0x0  }
0x9a: {  	[sflag:s25] =	ssyncadd.s32 $0xFFFFF9C0  }
0x9b: {  	_ =	swait.ge [sflag:s25], $0x640  }
0x9c: {  	[sflag:s25] =	ssyncset.done $0x0  }
0x9d: {  	[sflag:s25] =	ssyncadd.s32 $0xFFFFF9C0  }
0x9e: {  	_ =	swait.ge [sflag:s25], $0x640  }
0x9f: {  	[sflag:s25] =	ssyncset.done $0x0  }
0xa0: {  	[sflag:s25] =	ssyncadd.s32 $0xFFFFF9C0  }
0xa1: {  	_ =	swait.ge [sflag:s25], $0x640  }
0xa2: {  	[sflag:s25] =	ssyncset.done $0x0  }
0xa3: {  	[sflag:s25] =	ssyncadd.s32 $0xFFFFF9C0  }
0xa4: {  	[hbm4b:s29+s2] =	stream.linear.scatter [tilespmem:s9], [sflag:$0x3], $0x3200, $0x38;
	[tilespmem:$0xD400] =	vst v63  }
0xa5: {  	p1 =	seq.s32 s30, $0x1B200;
	_ =	swait.ge [sflag:s7], $0x3200  }
0xa6: {  	s10 =	simm.s32 @!p1 $0x7000;
	s0 =	sshra.s32 @!p1 s30, $0x2;
	[sflag:s7] =	ssyncset.done $0x0  }
0xa7: {  	s12 =	simm.s32 @!p1 $0x32;
	s11 =	sadd.s32 @!p1 $0x380, s0;
	[sflag:s7] =	ssyncadd.s32 $0xFFFFCE00  }
0xa8: {  	[tilespmem:s10], [sflag:$0x1] =	stream.indirect.gather @!p1 [hbm4b:s3+s12], $0x20, s11, s12, $0xb8;
	[tilespmem:$0xD400] =	vst v63  }
0xa9: {  	s10 =	sadd.s32 @!p1 $0x3B8, s0;
	s11 =	simm.s32 @!p1 $0x7640  }
0xaa: {  	[tilespmem:s11], [sflag:$0x1] =	stream.indirect.gather @!p1 [hbm4b:s3+s12], $0x20, s10, s12, $0xb8;
	[tilespmem:$0xD400] =	vst v63  }
0xab: {  	s30 =	sadd.s32 @!p1 $0x3F0, s0;
	s10 =	simm.s32 @!p1 $0x7C80  }
0xac: {  	[tilespmem:s10], [sflag:$0x1] =	stream.indirect.gather @!p1 [hbm4b:s3+s12], $0x20, s30, s12, $0xb8;
	[tilespmem:$0xD400] =	vst v63  }
0xad: {  	s11 =	sadd.s32 @!p1 $0x428, s0;
	s10 =	simm.s32 @!p1 $0x82C0  }
0xae: {  	[tilespmem:s10], [sflag:$0x1] =	stream.indirect.gather @!p1 [hbm4b:s3+s12], $0x20, s11, s12, $0xb8;
	[tilespmem:$0xD400] =	vst v63  }
0xaf: {  	s1 =	smov.u32 s31;
	s13 =	sadd.s32 @!p1 $0x460, s0;
	s10 =	simm.s32 @!p1 $0x8900  }
0xb0: {  	[tilespmem:s10], [sflag:$0x1] =	stream.indirect.gather @!p1 [hbm4b:s3+s12], $0x20, s13, s12, $0xb8;
	[tilespmem:$0xD400] =	vst v63  }
0xb1: {  	s14 =	sadd.s32 @!p1 $0x498, s0;
	s30 =	smov.u32 s1;
	s1 =	simm.s32 @!p1 $0x8F40  }
0xb2: {  	[tilespmem:s1], [sflag:$0x1] =	stream.indirect.gather @!p1 [hbm4b:s3+s12], $0x20, s14, s12, $0xb8;
	[tilespmem:$0xD400] =	vst v63  }
0xb3: {  	s15 =	sadd.s32 @!p1 $0x4D0, s0;
	s1 =	simm.s32 @!p1 $0x9580  }
0xb4: {  	[tilespmem:s1], [sflag:$0x1] =	stream.indirect.gather @!p1 [hbm4b:s3+s12], $0x20, s15, s12, $0xb8;
	[tilespmem:$0xD400] =	vst v63  }
0xb5: {  	s0 =	sadd.s32 @!p1 $0x508, s0;
	s1 =	simm.s32 @!p1 $0x9BC0  }
0xb6: {  	[tilespmem:s1], [sflag:$0x1] =	stream.indirect.gather @!p1 [hbm4b:s3+s12], $0x20, s0, s12, $0xb8;
	[tilespmem:$0xD400] =	vst v63  }
0xb7: {  	_ =	swait.ge [sflag:s26], $0x640  }
0xb8: {  	[sflag:s26] =	ssyncset.done $0x0  }
0xb9: {  	[sflag:s26] =	ssyncadd.s32 $0xFFFFF9C0  }
0xba: {  	_ =	swait.ge [sflag:s26], $0x640  }
0xbb: {  	[sflag:s26] =	ssyncset.done $0x0  }
0xbc: {  	[sflag:s26] =	ssyncadd.s32 $0xFFFFF9C0  }
0xbd: {  	_ =	swait.ge [sflag:s26], $0x640  }
0xbe: {  	[sflag:s26] =	ssyncset.done $0x0  }
0xbf: {  	[sflag:s26] =	ssyncadd.s32 $0xFFFFF9C0  }
0xc0: {  	_ =	swait.ge [sflag:s26], $0x640  }
0xc1: {  	[sflag:s26] =	ssyncset.done $0x0  }
0xc2: {  	[sflag:s26] =	ssyncadd.s32 $0xFFFFF9C0  }
0xc3: {  	_ =	swait.ge [sflag:s26], $0x640  }
0xc4: {  	[sflag:s26] =	ssyncset.done $0x0  }
0xc5: {  	[sflag:s26] =	ssyncadd.s32 $0xFFFFF9C0  }
0xc6: {  	_ =	swait.ge [sflag:s26], $0x640  }
0xc7: {  	[sflag:s26] =	ssyncset.done $0x0  }
0xc8: {  	[sflag:s26] =	ssyncadd.s32 $0xFFFFF9C0  }
0xc9: {  	_ =	swait.ge [sflag:s26], $0x640  }
0xca: {  	[sflag:s26] =	ssyncset.done $0x0  }
0xcb: {  	s31 =	sadd.s32 $0xE00, s31;
	[sflag:s26] =	ssyncadd.s32 $0xFFFFF9C0  }
0xcc: {  	p0 =	sne.s32 s31, $0x1C000;
	_ =	swait.ge [sflag:s26], $0x640  }
.Ltmp0:
0xcd: {  	[sflag:s26] =	ssyncset.done $0x0;
	(pc) =	sbr.rel @p0 .LBB2_2-.Ltmp0, $4  }
0xce: {  	s15 =	sadd.s32 $0x640, s29;
	[sflag:s26] =	ssyncadd.s32 $0xFFFFF9C0  }
0xcf: {  	[hbm4b:s15+s2] =	stream.linear.scatter [tilespmem:s24], [sflag:$0x3], $0x3200, $0x38;
	[tilespmem:$0xD400] =	vst v63  }
0xd0: {  	s29 =	sadd.s32 $0xC80, s29;
	_ =	swait.ge [sflag:s7], $0x3200  }
0xd1: {  	s0 =	sshra.s32 s30, $0x2;
	s10 =	rddreg [dreg:$0x3];
	[sflag:s7] =	ssyncset.done $0x0  }
0xd2: {  	s1 =	sadd.s32 $0x1C0, s0;
	[sflag:s7] =	ssyncadd.s32 $0xFFFFCE00  }
0xd3: {  	[tilespmem:s24], [sflag:$0x2] =	stream.indirect.gather [hbm4b:s3+s8], $0x20, s1, s8, $0xb8;
	[tilespmem:$0xD400] =	vst v63  }
0xd4: {  	s31 =	sadd.s32 $0x1F8, s0  }
0xd5: {  	[tilespmem:s10], [sflag:$0x2] =	stream.indirect.gather [hbm4b:s3+s8], $0x20, s31, s8, $0xb8;
	[tilespmem:$0xD400] =	vst v63  }
0xd6: {  	s11 =	rddreg [dreg:$0x4];
	s10 =	sadd.s32 $0x230, s0  }
0xd7: {  	[tilespmem:s11], [sflag:$0x2] =	stream.indirect.gather [hbm4b:s3+s8], $0x20, s10, s8, $0xb8;
	[tilespmem:$0xD400] =	vst v63  }
0xd8: {  	s12 =	rddreg [dreg:$0x5];
	s13 =	sadd.s32 $0x268, s0  }
0xd9: {  	[tilespmem:s12], [sflag:$0x2] =	stream.indirect.gather [hbm4b:s3+s8], $0x20, s13, s8, $0xb8;
	[tilespmem:$0xD400] =	vst v63  }
0xda: {  	s14 =	rddreg [dreg:$0x6];
	s15 =	sadd.s32 $0x2A0, s0  }
0xdb: {  	[tilespmem:s14], [sflag:$0x2] =	stream.indirect.gather [hbm4b:s3+s8], $0x20, s15, s8, $0xb8;
	[tilespmem:$0xD400] =	vst v63  }
0xdc: {  	s31 =	rddreg [dreg:$0x7];
	s11 =	sadd.s32 $0x2D8, s0  }
0xdd: {  	[tilespmem:s31], [sflag:$0x2] =	stream.indirect.gather [hbm4b:s3+s8], $0x20, s11, s8, $0xb8;
	[tilespmem:$0xD400] =	vst v63  }
0xde: {  	s12 =	rddreg [dreg:$0x8];
	s13 =	sadd.s32 $0x310, s0  }
0xdf: {  	[tilespmem:s12], [sflag:$0x2] =	stream.indirect.gather [hbm4b:s3+s8], $0x20, s13, s8, $0xb8;
	[tilespmem:$0xD400] =	vst v63  }
0xe0: {  	s14 =	rddreg [dreg:$0x9];
	s15 =	sadd.s32 $0x348, s0  }
0xe1: {  	[tilespmem:s14], [sflag:$0x2] =	stream.indirect.gather [hbm4b:s3+s8], $0x20, s15, s8, $0xb8;
	[tilespmem:$0xD400] =	vst v63  }
0xe2: {  	_ =	swait.ge [sflag:s25], $0x640  }
0xe3: {  	[sflag:s25] =	ssyncset.done $0x0  }
0xe4: {  	[sflag:s25] =	ssyncadd.s32 $0xFFFFF9C0  }
0xe5: {  	_ =	swait.ge [sflag:s25], $0x640  }
0xe6: {  	[sflag:s25] =	ssyncset.done $0x0  }
0xe7: {  	[sflag:s25] =	ssyncadd.s32 $0xFFFFF9C0  }
0xe8: {  	_ =	swait.ge [sflag:s25], $0x640  }
0xe9: {  	[sflag:s25] =	ssyncset.done $0x0  }
0xea: {  	[sflag:s25] =	ssyncadd.s32 $0xFFFFF9C0  }
0xeb: {  	_ =	swait.ge [sflag:s25], $0x640  }
0xec: {  	[sflag:s25] =	ssyncset.done $0x0  }
0xed: {  	[sflag:s25] =	ssyncadd.s32 $0xFFFFF9C0  }
0xee: {  	_ =	swait.ge [sflag:s25], $0x640  }
0xef: {  	[sflag:s25] =	ssyncset.done $0x0  }
0xf0: {  	[sflag:s25] =	ssyncadd.s32 $0xFFFFF9C0  }
0xf1: {  	_ =	swait.ge [sflag:s25], $0x640  }
0xf2: {  	[sflag:s25] =	ssyncset.done $0x0  }
0xf3: {  	[sflag:s25] =	ssyncadd.s32 $0xFFFFF9C0  }
0xf4: {  	_ =	swait.ge [sflag:s25], $0x640  }
0xf5: {  	[sflag:s25] =	ssyncset.done $0x0  }
0xf6: {  	[sflag:s25] =	ssyncadd.s32 $0xFFFFF9C0  }
0xf7: {  	_ =	swait.ge [sflag:s25], $0x640  }
0xf8: {  	[sflag:s25] =	ssyncset.done $0x0  }
0xf9: {  	[sflag:s25] =	ssyncadd.s32 $0xFFFFF9C0  }
0xfa: {  	[hbm4b:s29+s2] =	stream.linear.scatter [tilespmem:s9], [sflag:$0x3], $0x3200, $0x38;
	[tilespmem:$0xD400] =	vst v63  }
0xfb: {  	p0 =	seq.s32 s30, $0x1B200;
	_ =	swait.ge [sflag:s7], $0x3200  }
0xfc: {  	s1 =	simm.s32 @!p0 $0x7000;
	s0 =	sshra.s32 @!p0 s30, $0x2;
	[sflag:s7] =	ssyncset.done $0x0  }
0xfd: {  	s10 =	sadd.s32 @!p0 $0x380, s0;
	s11 =	simm.s32 @!p0 $0x32;
	[sflag:s7] =	ssyncadd.s32 $0xFFFFCE00  }
0xfe: {  	[tilespmem:s1], [sflag:$0x1] =	stream.indirect.gather @!p0 [hbm4b:s3+s11], $0x20, s10, s11, $0xb8;
	[tilespmem:$0xD400] =	vst v63  }
0xff: {  	s1 =	sadd.s32 @!p0 $0x3B8, s0;
	s10 =	simm.s32 @!p0 $0x7640  }
0x100: {  	[tilespmem:s10], [sflag:$0x1] =	stream.indirect.gather @!p0 [hbm4b:s3+s11], $0x20, s1, s11, $0xb8;
	[tilespmem:$0xD400] =	vst v63  }
0x101: {  	s1 =	sadd.s32 @!p0 $0x3F0, s0;
	s10 =	simm.s32 @!p0 $0x7C80  }
0x102: {  	[tilespmem:s10], [sflag:$0x1] =	stream.indirect.gather @!p0 [hbm4b:s3+s11], $0x20, s1, s11, $0xb8;
	[tilespmem:$0xD400] =	vst v63  }
0x103: {  	s1 =	sadd.s32 @!p0 $0x428, s0;
	s10 =	simm.s32 @!p0 $0x82C0  }
0x104: {  	[tilespmem:s10], [sflag:$0x1] =	stream.indirect.gather @!p0 [hbm4b:s3+s11], $0x20, s1, s11, $0xb8;
	[tilespmem:$0xD400] =	vst v63  }
0x105: {  	s1 =	sadd.s32 @!p0 $0x460, s0;
	s10 =	simm.s32 @!p0 $0x8900  }
0x106: {  	[tilespmem:s10], [sflag:$0x1] =	stream.indirect.gather @!p0 [hbm4b:s3+s11], $0x20, s1, s11, $0xb8;
	[tilespmem:$0xD400] =	vst v63  }
0x107: {  	s1 =	sadd.s32 @!p0 $0x498, s0;
	s10 =	simm.s32 @!p0 $0x8F40  }
0x108: {  	[tilespmem:s10], [sflag:$0x1] =	stream.indirect.gather @!p0 [hbm4b:s3+s11], $0x20, s1, s11, $0xb8;
	[tilespmem:$0xD400] =	vst v63  }
0x109: {  	s1 =	sadd.s32 @!p0 $0x4D0, s0;
	s10 =	simm.s32 @!p0 $0x9580  }
0x10a: {  	[tilespmem:s10], [sflag:$0x1] =	stream.indirect.gather @!p0 [hbm4b:s3+s11], $0x20, s1, s11, $0xb8;
	[tilespmem:$0xD400] =	vst v63  }
0x10b: {  	s0 =	sadd.s32 @!p0 $0x508, s0;
	s1 =	simm.s32 @!p0 $0x9BC0  }
0x10c: {  	[tilespmem:s1], [sflag:$0x1] =	stream.indirect.gather @!p0 [hbm4b:s3+s11], $0x20, s0, s11, $0xb8;
	[tilespmem:$0xD400] =	vst v63  }
0x10d: {  	_ =	swait.ge [sflag:s26], $0x640  }
0x10e: {  	[sflag:s26] =	ssyncset.done $0x0  }
0x10f: {  	[sflag:s26] =	ssyncadd.s32 $0xFFFFF9C0  }
0x110: {  	_ =	swait.ge [sflag:s26], $0x640  }
0x111: {  	[sflag:s26] =	ssyncset.done $0x0  }
0x112: {  	[sflag:s26] =	ssyncadd.s32 $0xFFFFF9C0  }
0x113: {  	_ =	swait.ge [sflag:s26], $0x640  }
0x114: {  	[sflag:s26] =	ssyncset.done $0x0  }
0x115: {  	[sflag:s26] =	ssyncadd.s32 $0xFFFFF9C0  }
0x116: {  	_ =	swait.ge [sflag:s26], $0x640  }
0x117: {  	[sflag:s26] =	ssyncset.done $0x0  }
0x118: {  	[sflag:s26] =	ssyncadd.s32 $0xFFFFF9C0  }
0x119: {  	_ =	swait.ge [sflag:s26], $0x640  }
0x11a: {  	[sflag:s26] =	ssyncset.done $0x0  }
0x11b: {  	[sflag:s26] =	ssyncadd.s32 $0xFFFFF9C0  }
0x11c: {  	_ =	swait.ge [sflag:s26], $0x640  }
0x11d: {  	[sflag:s26] =	ssyncset.done $0x0  }
0x11e: {  	[sflag:s26] =	ssyncadd.s32 $0xFFFFF9C0  }
0x11f: {  	_ =	swait.ge [sflag:s26], $0x640  }
0x120: {  	[sflag:s26] =	ssyncset.done $0x0  }
0x121: {  	[sflag:s26] =	ssyncadd.s32 $0xFFFFF9C0  }
0x122: {  	s28 =	sadd.s32 $0x1, s28;
	_ =	swait.ge [sflag:s26], $0x640  }
0x123: {  	p0 =	sne.s32 s28, s5;
	[sflag:s26] =	ssyncset.done $0x0  }
.Ltmp1:
0x124: {  	s31 =	sadd.s32 $0x640, s29;
	[sflag:s26] =	ssyncadd.s32 $0xFFFFF9C0;
	(pc) =	sbr.rel @p0 .LBB2_1-.Ltmp1, $4  }
0x125: {  	[hbm4b:s31+s2] =	stream.linear.scatter [tilespmem:s24], [sflag:$0x3], $0x3200, $0x38;
	[tilespmem:$0xD400] =	vst v63  }
0x126: {  	_ =	swait.ge [sflag:s7], $0x3200  }
0x127: {  	[sflag:s7] =	ssyncset.done $0x0  }
0x128: {  	[sflag:s7] =	ssyncadd.s32 $0xFFFFCE00  }
0x129: {  	_ =	sfence.sel $0x180000  }
0x12a: {  	[bflag:$0x0] =	sbarrier.arrive $0xFFFF  }
0x12b: {  	_ =	strace $0x90000047  }
0x12c: {  	s0 =	stileid.u32;
	[bflag:$0x2] =	sbarrier.arrive $0xFFFF  }
0x12d: {  	p0 =	sne.s32 s0, $0x0;
	s0 =	rddreg [dreg:$0x2]  }
0x12e: {  	s0 =	sadd.s32 @!p0 $0x100000, s0  }
0x12f: {  	[sflag:s0] =	ssyncadd.tile.s32 @!p0 $0x1;
	_ =	shalt  }
.Lfunc_end2:
_tile_overlayer_lowered:
.L_overlay_start_2:
0x130: {  	(tag) =	ssettag $0x2  }
0x131: {  	s0 =	rddreg [dreg:$0x0];
	s2 =	stileid.u32  }
0x132: {  	s1 =	rddreg [dreg:$0x1];
	p0 =	sne.s32 s2, $0x0  }
0x133: {  	s3 =	rddreg [dreg:$0x2];
	[bflag:$0x3] =	sbarrier.arrive $0xFFFF;
	s2 =	simm.s32 @!p0 $0x1C03  }
0x134: {  	[timem:s3], [sflag:s2] =	dma.local @!p0 [hbm:s0], s1  }
0x135: {  	s0 =	simm.s32 @!p0 $0x3  }
0x136: {  	_ =	swait.ge @!p0 [sflag:s0], s1  }
0x137: {  	s1 =	ssub.s32 @!p0 $0x0, s1;
	[sflag:s0] =	ssyncset.done @!p0 $0x0  }
0x138: {  	[sflag:s0] =	ssyncadd.s32 @!p0 s1  }
0x139: {  	[bflag:$0x3] =	sbarrier.arrive $0xFFFF  }
0x13a: {  	_ =	shalt  }

// kernel: sparse-core-data-format-call.cloned.1.call-start
scs
called_computation_lowered:
.L_overlay_start_0:
0x0: {  	s2 =	sld [smem:$0x3FD9]  }
0x1: {  	s3 =	sld [smem:$0x3FFE];
	_ =	sdelay $0x1  }
0x2: {  	s1 =	srdreg.scid  }
0x3: {  	s0 =	sand.u32 $0x1, s1  }
0x4: {  	s18 =	sshll.u32 s0, $0xA;
	s2 =	sadd.s32 s3, s2  }
0x5: {  	s2 =	sadd.s32 s2, s18  }
0x6: {  	[smem:$0x3FC6] =	sst s2  }
0x7: {  	_ = 	snop  }
0x8: {  	s2 =	sld [smem:$0x3FD0];
	(tm) =	ssettm $0x1  }
0x9: {  	s19 =	sld [smem:$0x3FFB];
	_ =	sdelay $0x3  }
0xa: {  	_ =	strace s19  }
0xb: {  	s3 =	sld [smem:$0x3FFC];
	_ =	sdelay $0x3  }
0xc: {  	_ =	strace s3  }
0xd: {  	s3 =	sld [smem:$0x3FFD];
	_ =	sdelay $0x3  }
0xe: {  	_ =	strace s3  }
0xf: {  	_ =	strace $0x8FFFFFFF  }
0x10: {  	s20 =	sld [smem:$0x3FDB];
	_ =	sdelay $0x1  }
0x11: {  	s4 =	simm.s32 $_scs_section_size  }
0x12: {  	s5 =	simm.s32 $_size__tile_overlayer_lowered;
	s6 =	simm.s32 $_tile_overlayer_lowered  }
0x13: {  	s23 =	simm.s32 $0x1BFF;
	s22 =	sshll.u32 s6, $0x1;
	s3 =	sadd.s32 s4, s20  }
0x14: {  	s7 =	simm.s32 $0x0;
	s21 =	sshll.u32 s5, $0x1;
	s5 =	sadd.s32 s22, s3  }
0x15: {  	[timem:s7], [sflag:s23] =	dma.local [hbm:s5], s21  }
0x16: {  	_ =	swait.ge [sflag:s23], s21  }
0x17: {  	s4 =	ssub.s32 $0x0, s21;
	[sflag:s23] =	ssyncset.done $0x0  }
0x18: {  	[sflag:s23] =	ssyncadd.s32 s4;
	_ =	sdelay $0x1  }
0x19: {  	s24 =	simm.s32 $0x1B8B  }
0x1a: {  	_ =	swait.ge [sflag:s24], $0x1  }
0x1b: {  	[sflag:s24] =	ssyncset.done $0x0  }
0x1c: {  	s26 =	simm.s32 $0x1B8E;
	s25 =	sld [smem:$0x3FFE];
	[sflag:s24] =	ssyncadd.s32 $0xFFFFFFFF  }
0x1d: {  	s27 =	simm.s32 $execute0_lowered;
	[smem:$0x3FD2] =	sst s26  }
0x1e: {  	s5 =	sshll.u32 s27, $0x1;
	_ =	strace $0x80000049;
	[dreg:$0x1] =	wrdreg $0xFFFFFFFF  }
0x1f: {  	s28 =	simm.s32 $_size_execute0_lowered;
	s3 =	sadd.s32 s3, s5;
	[dreg:$0x0] =	wrdreg $0x0  }
0x20: {  	s5 =	sshll.u32 s28, $0x1;
	[dreg:$0x2] =	wrdreg s3  }
0x21: {  	[dreg:$0x3] =	wrdreg s5  }
0x22: {  	[dreg:$0x4] =	wrdreg $0xC0  }
0x23: {  	_ =	task [dreg:s7], $0x5FFFF  }
0x24: {  	[dreg:$0x1] =	wrdreg $0xFFFFFFFF  }
0x25: {  	[dreg:$0x0] =	wrdreg $0x60  }
0x26: {  	[dreg:$0x2] =	wrdreg s25  }
0x27: {  	[dreg:$0x3] =	wrdreg s2  }
0x28: {  	[dreg:$0x4] =	wrdreg $0x9  }
0x29: {  	_ =	task.clear_ibuf [dreg:s7], $0x5FFFF;
	_ =	strace $0x90000049  }
0x2a: {  	s29 =	simm.s32 $0x9;
	_ =	strace $0x8000004B  }
0x2b: {  	_ =	swait.ge [sflag:s29], $0x1  }
0x2c: {  	[sflag:s29] =	ssyncadd.s32 $0xFFFFFFFF  }
0x2d: {  	_ =	strace $0x9000004B  }
0x2e: {  	_ =	sfence  }
0x2f: {  	s30 =	sld [smem:$0x0];
	_ =	sdelay $0x2  }
0x30: {  	s31 =	sshll.u32 s1, $0xD;
	s1 =	sshrl.u32 s1, $0x2  }
0x31: {  	s3 =	sand.u32 $0x4000, s31;
	s1 =	sadd.s32 s1, s30  }
0x32: {  	s0 =	sor.u32 s3, s0;
	s1 =	sshll.u32 s1, $0x11  }
0x33: {  	s0 =	sor.u32 s1, s0  }
0x34: {  	s0 =	sadd.s32 $0x8F2B, s0  }
0x35: {  	[sflag:s0] =	ssyncadd.remote.s32 $0x1  }
0x36: {  	_ =	sfence.sel $0xFFFF  }
0x37: {  	[dreg:$0x0] =	wrdreg $0xFFFFFFFF;
	(pc) =	sbr.abs _section_cstart, $3  }
0x38: {  	[dreg:$0x1] =	wrdreg $0xFFFFFFFF  }
0x39: {  	_ =	task.clear_ibuf [dreg:s7], $0x2FFFF;
	_ =	strace $0x9FFFFFFF  }
0x3a: {  	(tm) =	ssettm $0x7FFFFFFF  }
0x3b: {  	_ =	shalt  }
tec
execute0_lowered:
.L_overlay_start_1:
0x0: {  	(tag) =	ssettag $0x1  }
0x1: {  	s0 =	srdreg.scid  }
0x2: {  	s1 =	sshll.u32 s0, $0x4  }
0x3: {  	s0 =	stileid.u32;
	s1 =	sand.u32 $0x10, s1  }
0x4: {  	s1 =	sor.u32 s0, s1  }
0x5: {  	s6 =	rddreg [dreg:$0x0];
	s4 =	simm.s32 $0x1;
	s2 =	sshll.u32 s1, $0x7  }
0x6: {  	s7 =	simm.s32 $0x2;
	s12 =	simm.s32 $0x0;
	s1 =	ssub.s32 $0x4000, s2  }
0x7: {  	s8 =	simm.s32 $0x20000;
	s13 =	simm.s32 $0x0;
	s3 =	sand.u32 $0xF80, s1  }
0x8: {  	s9 =	simm.s32 $0x0;
	s5 =	sshrl.u32 s1, $0xC;
	p0 =	sne.s32 s3, $0x0  }
.Ltmp0:
0x9: {  	s1 =	rddreg [dreg:$0x2];
	s4 =	simm.s32 @!p0 $0x0;
	(pc) =	sbr.rel .LBB1_1-.Ltmp0, $4  }
0xa: {  	s11 =	simm.s32 $0x0;
	s3 =	rddreg [dreg:$0x1];
	s5 =	sadd.s32 s4, s5  }
0xb: {  	_ =	strace $0x8000004A;
	s4 =	simm.s32 $0x1;
	s5 =	smul.u32 $0x32, s5  }
0xc: {  	s6 =	sadd.s32 $0xA00, s6;
	s10 =	smov.u32 s2;
	[sflag:s4] =	ssyncpa.u1 $0x0  }
0xd: {  	p0 =	por $0x0, $0x0;
	[sflag:s7] =	ssyncpa.u1 $0x0;
	s7 =	sor.u32 $0x1, s5  }
.LBB1_4:
0xe: {  	s16 =	sshll.u32 s13, $0x3;
	s17 =	sand.u32 $0x78, s13  }
0xf: {  	s30 =	sand.u32 $0xF800, s13;
	s12 =	sshll.u32 s12, $0x10;
	s16 =	sand.u32 $0x3C00, s16  }
0x10: {  	s31 =	sand.u32 $0x7, s13;
	s16 =	sor.u32 s17, s16;
	s17 =	sadd.s32 s3, s30  }
0x11: {  	s13 =	sshll.u32 s31, $0x12;
	s16 =	sshrl.u32 s16, $0x3;
	s12 =	sadd.s32 s12, s17  }
0x12: {  	[tilespmem:s15+$0x0 ss:$0x81] =	vst.msk $0xffff, v0;
	s13 =	sor.u32 $0x400, s13;
	s12 =	sadd.s32 s16, s12  }
0x13: {  	[hbm4b:s12+s13] =	stream.strided.scatter [tilespmem:s14], [sflag:$0x2], $0x1000, s8, s13, $0x20;
	[tilespmem:$0x4040] =	vst v63  }
.LBB1_5:
0x14: {  	s14 =	sadd.s32 $0x1, s9  }
0x15: {  	s12 =	sadd.s32 $0x1000, s10;
	s16 =	smov.u32 s10;
	p2 =	sgt.s32 s14, $0x31  }
0x16: {  	s16 =	smov.u32 @p2 s12  }
0x17: {  	s14 =	simm.s32 @p2 $0x0;
	p2 =	sgt.s32 s16, $0x3FFF  }
0x18: {  	s16 =	smov.u32 @p2 s2;
	p2 =	sne.s32 s11, s7  }
.Ltmp1:
0x19: {  	p1 =	slt.u32 s11, $0x2;
	(pc) =	sbr.rel @!p2 .LBB1_6-.Ltmp1, $4  }
0x1a: {  	s15 =	simm.s32 @!p1 $0x2  }
0x1b: {  	s13 =	smov.u32 s10;
	p0 =	por !p0, !p0;
	_ =	swait.ge @!p1 [sflag:s15], $0x1000  }
0x1c: {  	s12 =	smov.u32 s9;
	[sflag:s15] =	ssyncset.done @!p1 $0x0;
	s9 =	smov.u32 s14  }
0x1d: {  	s11 =	sadd.s32 $0x1, s11;
	[sflag:s15] =	ssyncadd.s32 @!p1 $0xFFFFF000;
	s10 =	smov.u32 s16  }
.LBB1_1:
0x1e: {  	p1 =	sge.u32 s11, s5  }
0x1f: {  	s14 =	sand.u32 @!p1 $0x1FFFFFF, s9  }
0x20: {  	s15 =	smulhi.u32 @!p1 $0x4924925, s14;
	_ =	sdelay $0x1  }
0x21: {  	s15 =	smul.u32 @!p1 $0x38, s15  }
0x22: {  	s16 =	sxor.u32 @!p1 $0xFFFFFFFF, s11;
	s17 =	smul.u32 @!p1 $0x380, s10  }
0x23: {  	s31 =	sadd.s32 $0xFFFFFFFF, s11;
	s16 =	sshll.u32 @!p1 s16, $0xC;
	s14 =	ssub.s32 @!p1 s14, s15  }
0x24: {  	s15 =	sand.u32 @!p1 $0x1000, s16;
	s16 =	sadd.s32 @!p1 s6, s17;
	s14 =	sshll.u32 @!p1 s14, $0x4  }
0x25: {  	s17 =	simm.s32 @!p1 $0x1C00;
	s14 =	sadd.s32 @!p1 s14, s16;
	s16 =	simm.s32 @!p1 $0x20  }
0x26: {  	[tilespmem:s15], [sflag:$0x1] =	stream.strided.gather @!p1 [hbm4b:s14+s16], $0x1000, s17, s16, $0x38;
	[tilespmem:$0x4040] =	vst v63  }
0x27: {  	p1 =	sge.u32 s31, s5  }
.Ltmp2:
0x28: {  	_ = 	snop;
	(pc) =	sbr.rel @p1 .LBB1_5-.Ltmp2, $1  }
0x29: {  	_ =	sdelay $0x3  }
0x2a: {  	s14 =	simm.s32 $0x1  }
0x2b: {  	_ =	swait.ge [sflag:s4], $0x1000;
	s14 =	simm.s32 @!p0 $0x0  }
0x2c: {  	[sflag:s4] =	ssyncset.done $0x0;
	s15 =	sshll.u32 s14, $0xC  }
0x2d: {  	[sflag:s4] =	ssyncadd.s32 $0xFFFFF000;
	s18 =	sor.u32 $0x10, s15  }
0x2e: {  	s14 =	smul.u32 $0x4080, s14;
	v1 =	vld [tilespmem:s18+$0x0]  }
0x2f: {  	s30 =	sand.u32 $0x1, s11;
	v0 =	vld [tilespmem:s18+$0xFFFFFFF0]  }
0x30: {  	s15 =	smul.u32 $0x4080, s30;
	s14 =	sshrl.u32 s14, $0x2  }
0x31: {  	s16 =	sor.u32 $0x2000, s14  }
0x32: {  	s31 =	sshrl.u32 s15, $0x2;
	s15 =	sadd.s32 $0x0, s16  }
0x33: {  	s17 =	simm.s32 $0x4;
	s18 =	sadd.s32 $0x20, s18;
	s14 =	sor.u32 $0x2000, s31;
	[tilespmem:s15+$0x810 ss:$0x81] =	vst.msk $0xffff, v1  }
.LBB1_3:
0x34: {  	v1 =	vld [tilespmem:s18+$0x0];
	p1 =	sne.s32 s17, $0x1FC;
	[tilespmem:s15+$0x0 ss:$0x81] =	vst.msk $0xffff, v0;
	s15 =	smov.u32 s17;
	s17 =	sadd.s32 $0x4, s17  }
.Ltmp3:
0x35: {  	v0 =	vld [tilespmem:s18+$0xFFFFFFF0];
	(pc) =	sbr.rel @p1 .LBB1_3-.Ltmp3, $4  }
0x36: {  	_ = 	snop  }
0x37: {  	s15 =	sshra.s32 s15, $0x2  }
0x38: {  	s15 =	sadd.s32 s15, s16  }
0x39: {  	s18 =	sadd.s32 $0x20, s18;
	[tilespmem:s15+$0x810 ss:$0x81] =	vst.msk $0xffff, v1  }
.Ltmp4:
0x3a: {  	_ = 	snop;
	(pc) =	sbr.rel .LBB1_4-.Ltmp4, $1  }
0x3b: {  	_ =	sdelay $0x3  }
.LBB1_6:
0x3c: {  	_ =	sfence.sel $0x180000  }
0x3d: {  	s2 =	simm.s32 $0x1;
	[bflag:$0x0] =	sbarrier.arrive $0xFFFF  }
0x3e: {  	s31 =	simm.s32 $0x2;
	[sflag:s2] =	ssyncpa.u1 $0x1  }
0x3f: {  	[sflag:s31] =	ssyncpa.u1 $0x1  }
0x40: {  	p0 =	sne.s32 s0, $0x0;
	_ =	strace $0x9000004A  }
0x41: {  	s0 =	sadd.s32 @!p0 $0x100000, s1;
	[bflag:$0x2] =	sbarrier.arrive $0xFFFF  }
0x42: {  	[sflag:s0] =	ssyncadd.tile.s32 @!p0 $0x1;
	_ =	shalt  }
.Lfunc_end1:
_tile_overlayer_lowered:
.L_overlay_start_2:
0x43: {  	(tag) =	ssettag $0x2  }
0x44: {  	s0 =	rddreg [dreg:$0x0];
	s2 =	stileid.u32  }
0x45: {  	s1 =	rddreg [dreg:$0x1];
	p0 =	sne.s32 s2, $0x0  }
0x46: {  	s3 =	rddreg [dreg:$0x2];
	[bflag:$0x3] =	sbarrier.arrive $0xFFFF;
	s2 =	simm.s32 @!p0 $0x1C01  }
0x47: {  	[timem:s3], [sflag:s2] =	dma.local @!p0 [hbm:s0], s1  }
0x48: {  	s0 =	simm.s32 @!p0 $0x1  }
0x49: {  	_ =	swait.ge @!p0 [sflag:s0], s1  }
0x4a: {  	s1 =	ssub.s32 @!p0 $0x0, s1;
	[sflag:s0] =	ssyncset.done @!p0 $0x0  }
0x4b: {  	[sflag:s0] =	ssyncadd.s32 @!p0 s1  }
0x4c: {  	[bflag:$0x3] =	sbarrier.arrive $0xFFFF  }
0x4d: {  	_ =	shalt  }

</sc_bundles>
